<compile_context>
chip_gen: v7x
topology: tpu7x:2x2x1
jax: 0.10.2.dev20260603
libtpu: 0.0.44.dev20260713+nightly
codegen_flags: <defaults>
</compile_context>

<pallas_src>
import functools

import jax
import jax.numpy as jnp
from jax import lax
from jax.experimental import pallas as pl
from jax.experimental.pallas import tpu as pltpu
from jax.experimental.pallas import tpu_sc as plsc

N = 10000
E = 320000
D = 128

NC = 2
NS = 16
NW = NC * NS
C = 128
NBLK = E // C
NB = NBLK // NW
EXTRA = NBLK - NB * NW
N_PAD = 10240
CNT_STRIPE = N_PAD // NS
ROW_STRIPE = 624
ROW_TAIL = N - NS * ROW_STRIPE

_mesh = plsc.VectorSubcoreMesh(core_axis_name="c", subcore_axis_name="s")


@functools.partial(
    pl.kernel,
    mesh=_mesh,
    out_type=[
        jax.ShapeDtypeStruct((NC, N, D), jnp.float32),
        jax.ShapeDtypeStruct((NC, N_PAD), jnp.float32),
    ],
    scratch_types=[
        pltpu.VMEM((C,), jnp.int32),
        pltpu.VMEM((C,), jnp.int32),
        pltpu.VMEM((C,), jnp.int32),
        pltpu.VMEM((C,), jnp.int32),
        pltpu.VMEM((C,), jnp.int32),
        pltpu.VMEM((C,), jnp.int32),
        pltpu.VMEM((C,), jnp.int32),
        pltpu.VMEM((C,), jnp.int32),
        pltpu.VMEM((C, D), jnp.float32),
        pltpu.VMEM((C, D), jnp.float32),
        pltpu.VMEM((C,), jnp.float32),
        pltpu.VMEM_SHARED((N, D), jnp.float32),
        pltpu.VMEM_SHARED((N_PAD,), jnp.float32),
        pltpu.SemaphoreType.DMA,
        pltpu.SemaphoreType.DMA,
        pltpu.SemaphoreType.DMA,
        pltpu.SemaphoreType.DMA,
        pltpu.SemaphoreType.DMA,
        pltpu.SemaphoreType.DMA,
        pltpu.SemaphoreType.DMA,
        pltpu.SemaphoreType.DMA,
    ],
)
def _aggregate(eix_hbm, x_hbm, zf_hbm, zc_hbm, sums_out, cnt_out,
               srcb0, srcb1, srcb2, srcb3, dstb0, dstb1, dstb2, dstb3,
               rows0, rows1, ones_v, acc_sh, cnt_sh,
               sg0, sg1, ss0, ss1, si0, si1, si2, si3):
    cid = lax.axis_index("c")
    sid = lax.axis_index("s")
    wid = sid * NC + cid


    wblk = wid * NB
    srcb = [srcb0, srcb1, srcb2, srcb3]
    dstb = [dstb0, dstb1, dstb2, dstb3]
    rows = [rows0, rows1]
    sem_g = [sg0, sg1]
    sem_s = [ss0, ss1]
    sem_i = [si0, si1, si2, si3]

    def i_start(blk, q):
        off = pl.multiple_of(blk * C, 128)
        pltpu.async_copy(eix_hbm.at[0, pl.ds(off, C)], srcb[q], sem_i[q])
        pltpu.async_copy(eix_hbm.at[1, pl.ds(off, C)], dstb[q], sem_i[q])

    def i_wait(q):
        pltpu.make_async_copy(eix_hbm.at[0, pl.ds(0, C)], srcb[q], sem_i[q]).wait()
        pltpu.make_async_copy(eix_hbm.at[0, pl.ds(0, C)], dstb[q], sem_i[q]).wait()

    def g_start(p, q):
        pltpu.async_copy(x_hbm.at[srcb[q]], rows[p], sem_g[p])

    def g_wait(p):
        pltpu.make_async_copy(x_hbm.at[pl.ds(0, C)], rows[p], sem_g[p]).wait()

    def s_start(p, q):
        pltpu.async_copy(rows[p], acc_sh.at[dstb[q]], sem_s[p], add=True)
        pltpu.async_copy(ones_v, cnt_sh.at[dstb[q]], sem_s[p], add=True)

    def s_wait(p):
        pltpu.make_async_copy(x_hbm.at[pl.ds(0, C)], rows[p], sem_s[p]).wait()
        pltpu.make_async_copy(zc_hbm.at[pl.ds(0, C)], ones_v, sem_s[p]).wait()

    def chunk(j, p2, p4, first=False, issue_g=True, issue_i=True):
        if not first:
            s_wait(1 - p2)
        if issue_g:
            i_wait((p4 + 1) % 4)
            g_start(1 - p2, (p4 + 1) % 4)
        g_wait(p2)
        s_start(p2, p4)
        if issue_i:
            i_start(wblk + j + 3, (p4 + 3) % 4)

    i_start(wblk, 0)
    i_start(wblk + 1, 1)
    i_start(wblk + 2, 2)
    i_wait(0)
    g_start(0, 0)

    r0 = sid * ROW_STRIPE
    pltpu.sync_copy(zf_hbm.at[pl.ds(r0, ROW_STRIPE)],
                    acc_sh.at[pl.ds(r0, ROW_STRIPE)])

    @pl.when(sid == NS - 1)
    def _zero_tail():
        pltpu.sync_copy(zf_hbm.at[pl.ds(NS * ROW_STRIPE, ROW_TAIL)],
                        acc_sh.at[pl.ds(NS * ROW_STRIPE, ROW_TAIL)])

    c0 = sid * CNT_STRIPE
    pltpu.sync_copy(zc_hbm.at[pl.ds(c0, CNT_STRIPE)],
                    cnt_sh.at[pl.ds(c0, CNT_STRIPE)])
    for i in range(C // 16):
        ones_v[pl.ds(i * 16, 16)] = jnp.ones((16,), jnp.float32)
    plsc.subcore_barrier()

    chunk(0, 0, 0, first=True)
    chunk(1, 1, 1)

    def body(t, carry):
        j = 4 * t + 2
        chunk(j, 0, 2)
        chunk(j + 1, 1, 3)
        chunk(j + 2, 0, 0)
        chunk(j + 3, 1, 1)
        return carry

    lax.fori_loop(0, (NB - 6) // 4, body, 0)
    chunk(NB - 4, 0, 2)
    chunk(NB - 3, 1, 3, issue_i=False)
    chunk(NB - 2, 0, 0, issue_i=False)
    chunk(NB - 1, 1, 1, issue_g=False, issue_i=False)
    s_wait(1)

    @pl.when(wid < EXTRA)
    def _extra_block():
        i_start(NB * NW + wid, 0)
        i_wait(0)
        g_start(0, 0)
        g_wait(0)
        s_start(0, 0)
        s_wait(0)

    plsc.subcore_barrier()

    pltpu.sync_copy(acc_sh.at[pl.ds(r0, ROW_STRIPE)],
                    sums_out.at[cid, pl.ds(r0, ROW_STRIPE)])

    @pl.when(sid == NS - 1)
    def _write_tail():
        pltpu.sync_copy(acc_sh.at[pl.ds(NS * ROW_STRIPE, ROW_TAIL)],
                        sums_out.at[cid, pl.ds(NS * ROW_STRIPE, ROW_TAIL)])

    pltpu.sync_copy(cnt_sh.at[pl.ds(c0, CNT_STRIPE)],
                    cnt_out.at[cid, pl.ds(c0, CNT_STRIPE)])


_BN = 2000


def _combine_body(s_ref, c_ref, x_ref, wl_ref, bl_ref, wr_ref, o_ref):
    sums = s_ref[0] + s_ref[1]
    cnt = c_ref[0] + c_ref[1]
    mean = sums / jnp.maximum(cnt, 1.0)
    dn = (((1,), (1,)), ((), ()))
    h = lax.dot_general(mean, wl_ref[...], dn,
                        preferred_element_type=jnp.float32)
    h = h + lax.dot_general(x_ref[...], wr_ref[...], dn,
                            preferred_element_type=jnp.float32)
    h = h + bl_ref[...]
    o_ref[...] = jnp.where(h > 0, h, 0.5 * h)


def _combine(sums, cnt, x, W_l, b_l, W_r):
    return pl.pallas_call(
        _combine_body,
        grid=(N // _BN,),
        in_specs=[
            pl.BlockSpec((NC, _BN, D), lambda i: (0, i, 0)),
            pl.BlockSpec((NC, _BN, 1), lambda i: (0, i, 0)),
            pl.BlockSpec((_BN, D), lambda i: (i, 0)),
            pl.BlockSpec((D, D), lambda i: (0, 0)),
            pl.BlockSpec((1, D), lambda i: (0, 0)),
            pl.BlockSpec((D, D), lambda i: (0, 0)),
        ],
        out_specs=pl.BlockSpec((_BN, D), lambda i: (i, 0)),
        out_shape=jax.ShapeDtypeStruct((N, D), jnp.float32),
    )(sums, cnt, x, W_l, b_l, W_r)


def kernel(x, edge_index, W_l, b_l, W_r):
    zf = jnp.zeros((N, D), jnp.float32)
    zc = jnp.zeros((N_PAD,), jnp.float32)
    sums, cnt = _aggregate(edge_index, x, zf, zc)
    h = _combine(sums, cnt[:, :N, None], x, W_l, b_l.reshape(1, D), W_r)
    return (h, x)

# --- scband reference (transcript-rebuilt; emitter-appended) ---
"""Pipeline reference for scband-encoder-82300163326282 (READ-ONLY COPY).

The authoritative reference and input builder live on the scoring server;
editing this copy changes nothing except your own understanding.
"""

import jax, jax.numpy as jnp
import numpy as np

N = 10000
E = 320000
D_IN = 128
D_OUT = 128


def setup_inputs(seed: int = 0) -> dict:
    key = jax.random.key(seed)
    k1, k2, k3, k4 = jax.random.split(key, 4)
    x = jax.random.normal(k1, (N, D_IN), dtype=jnp.float32)
    edge_index = jax.random.randint(k2, (2, E), 0, N, dtype=jnp.int32)
    # SAGEConv params: lin_l (applied to aggregated neighbors, has bias),
    # lin_r (applied to root/target features, no bias in PyG default)
    W_l = jax.random.normal(k3, (D_OUT, D_IN), dtype=jnp.float32) * (1.0 / np.sqrt(D_IN))
    b_l = jnp.zeros((D_OUT,), dtype=jnp.float32)
    W_r = jax.random.normal(k4, (D_OUT, D_IN), dtype=jnp.float32) * (1.0 / np.sqrt(D_IN))
    return {"x": x, "edge_index": edge_index, "W_l": W_l, "b_l": b_l, "W_r": W_r}


def reference(x, edge_index, W_l, b_l, W_r):
    # Encoder.forward with adjs=None: single full-graph layer, target = x
    # dropout p=0.0 is a no-op; x_target = x (size[1] == N)
    src = edge_index[0]
    dst = edge_index[1]
    # SAGEConv with mean aggregation: gather source features, scatter-mean to dst
    msgs = jnp.take(x, src, axis=0)                                  # gather [E, D_IN]
    sums = jax.ops.segment_sum(msgs, dst, num_segments=N)            # scatter-add [N, D_IN]
    cnt = jax.ops.segment_sum(jnp.ones((E,), dtype=x.dtype), dst, num_segments=N)
    mean = sums / jnp.clip(cnt, 1.0)[:, None]
    h = mean @ W_l.T + b_l + x @ W_r.T                               # lin_l(agg) + lin_r(root)
    # LeakyReLU with negative_slope=0.5
    h = jnp.where(h > 0, h, 0.5 * h)
    return (h, x)

if __name__ == "__main__":
    import jax
    _d = setup_inputs()
    print(jax.jit(kernel)(*tuple(_d.values())))

</pallas_src>

<mosaic_0001>
#map = affine_map<(d0, d1) -> (0, 0)>
#map1 = affine_map<(d0, d1) -> (0)>
#map2 = affine_map<(d0, d1) -> (0, 0, 0)>
module attributes {stable_mosaic.version = 14 : i64} {
  func.func @_aggregate(%arg0: i32, %arg1: i32, %arg2: memref<2x320000xi32, #tpu.memory_space<hbm>>, %arg3: memref<10000x128xf32, #tpu.memory_space<hbm>>, %arg4: memref<10000x128xf32, #tpu.memory_space<hbm>>, %arg5: memref<10240xf32, #tpu.memory_space<hbm>>, %arg6: memref<2x10000x128xf32, #tpu.memory_space<hbm>>, %arg7: memref<2x10240xf32, #tpu.memory_space<hbm>>, %arg8: memref<128xi32, #tpu.memory_space<vmem>>, %arg9: memref<128xi32, #tpu.memory_space<vmem>>, %arg10: memref<128xi32, #tpu.memory_space<vmem>>, %arg11: memref<128xi32, #tpu.memory_space<vmem>>, %arg12: memref<128xi32, #tpu.memory_space<vmem>>, %arg13: memref<128xi32, #tpu.memory_space<vmem>>, %arg14: memref<128xi32, #tpu.memory_space<vmem>>, %arg15: memref<128xi32, #tpu.memory_space<vmem>>, %arg16: memref<128x128xf32, #tpu.memory_space<vmem>>, %arg17: memref<128x128xf32, #tpu.memory_space<vmem>>, %arg18: memref<128xf32, #tpu.memory_space<vmem>>, %arg19: memref<10000x128xf32, #tpu.memory_space<vmem_shared>>, %arg20: memref<10240xf32, #tpu.memory_space<vmem_shared>>, %arg21: memref<!tpu.dma_semaphore, #tpu.memory_space<semaphore_mem>>, %arg22: memref<!tpu.dma_semaphore, #tpu.memory_space<semaphore_mem>>, %arg23: memref<!tpu.dma_semaphore, #tpu.memory_space<semaphore_mem>>, %arg24: memref<!tpu.dma_semaphore, #tpu.memory_space<semaphore_mem>>, %arg25: memref<!tpu.dma_semaphore, #tpu.memory_space<semaphore_mem>>, %arg26: memref<!tpu.dma_semaphore, #tpu.memory_space<semaphore_mem>>, %arg27: memref<!tpu.dma_semaphore, #tpu.memory_space<semaphore_mem>>, %arg28: memref<!tpu.dma_semaphore, #tpu.memory_space<semaphore_mem>>) attributes {dimension_semantics = [#tpu.dimension_semantics<core_parallel>, #tpu.dimension_semantics<subcore_parallel>], iteration_bounds = array<i64: 2, 16>, scalar_prefetch = 0 : i64, scratch_operands = 21 : i64, tpu.core_type = #tpu.core_type<sc_vector_subcore>, window_params = [{transform_indices = #map}, {transform_indices = #map}, {transform_indices = #map}, {transform_indices = #map1}, {transform_indices = #map2}, {transform_indices = #map}]} {
    %mul3A = arith.constant 2 : i32
    %mul3A_0 = arith.muli %arg1, %mul3A : i32
    %add3A = arith.addi %mul3A_0, %arg0 : i32
    %mul3A_1 = arith.constant 78 : i32
    %mul3A_2 = arith.muli %add3A, %mul3A_1 : i32
    %mul3A_3 = arith.constant 128 : i32
    %mul3A_4 = arith.muli %mul3A_2, %mul3A_3 : i32
    %multiple_of3A = tpu.assume_multiple %mul3A_4, 128 : i32
    %dma_start3A = arith.constant 0 : i32
    %dma_start3A_5 = tpu.memref_slice %arg2[%dma_start3A, %multiple_of3A] : memref<2x320000xi32, #tpu.memory_space<hbm>> -> memref<1x128xi32, #tpu.memory_space<hbm>>
    %dma_start3A_6 = tpu.memref_squeeze %dma_start3A_5 : memref<1x128xi32, #tpu.memory_space<hbm>> -> memref<128xi32, #tpu.memory_space<hbm>>
    %dma_start3A_7 = tpu.memref_slice %arg2[%dma_start3A, %multiple_of3A] : memref<2x320000xi32, #tpu.memory_space<hbm>> -> memref<1x128xi32, #tpu.memory_space<hbm>>
    %dma_start3A_8 = tpu.memref_squeeze %dma_start3A_7 : memref<1x128xi32, #tpu.memory_space<hbm>> -> memref<128xi32, #tpu.memory_space<hbm>>
    tpu.enqueue_dma source(%dma_start3A_8 : memref<128xi32, #tpu.memory_space<hbm>>) target(%arg8 : memref<128xi32, #tpu.memory_space<vmem>>) target_semaphore(%arg25 : memref<!tpu.dma_semaphore, #tpu.memory_space<semaphore_mem>>)
    %dma_start3A_9 = arith.constant 1 : i32
    %dma_start3A_10 = tpu.memref_slice %arg2[%dma_start3A_9, %multiple_of3A] : memref<2x320000xi32, #tpu.memory_space<hbm>> -> memref<1x128xi32, #tpu.memory_space<hbm>>
    %dma_start3A_11 = tpu.memref_squeeze %dma_start3A_10 : memref<1x128xi32, #tpu.memory_space<hbm>> -> memref<128xi32, #tpu.memory_space<hbm>>
    %dma_start3A_12 = tpu.memref_slice %arg2[%dma_start3A_9, %multiple_of3A] : memref<2x320000xi32, #tpu.memory_space<hbm>> -> memref<1x128xi32, #tpu.memory_space<hbm>>
    %dma_start3A_13 = tpu.memref_squeeze %dma_start3A_12 : memref<1x128xi32, #tpu.memory_space<hbm>> -> memref<128xi32, #tpu.memory_space<hbm>>
    tpu.enqueue_dma source(%dma_start3A_13 : memref<128xi32, #tpu.memory_space<hbm>>) target(%arg12 : memref<128xi32, #tpu.memory_space<vmem>>) target_semaphore(%arg25 : memref<!tpu.dma_semaphore, #tpu.memory_space<semaphore_mem>>)
    %add3A_14 = arith.constant 1 : i32
    %add3A_15 = arith.addi %mul3A_2, %add3A_14 : i32
    %mul3A_16 = arith.constant 128 : i32
    %mul3A_17 = arith.muli %add3A_15, %mul3A_16 : i32
    %multiple_of3A_18 = tpu.assume_multiple %mul3A_17, 128 : i32
    %dma_start3A_19 = arith.constant 0 : i32
    %dma_start3A_20 = tpu.memref_slice %arg2[%dma_start3A_19, %multiple_of3A_18] : memref<2x320000xi32, #tpu.memory_space<hbm>> -> memref<1x128xi32, #tpu.memory_space<hbm>>
    %dma_start3A_21 = tpu.memref_squeeze %dma_start3A_20 : memref<1x128xi32, #tpu.memory_space<hbm>> -> memref<128xi32, #tpu.memory_space<hbm>>
    %dma_start3A_22 = tpu.memref_slice %arg2[%dma_start3A_19, %multiple_of3A_18] : memref<2x320000xi32, #tpu.memory_space<hbm>> -> memref<1x128xi32, #tpu.memory_space<hbm>>
    %dma_start3A_23 = tpu.memref_squeeze %dma_start3A_22 : memref<1x128xi32, #tpu.memory_space<hbm>> -> memref<128xi32, #tpu.memory_space<hbm>>
    tpu.enqueue_dma source(%dma_start3A_23 : memref<128xi32, #tpu.memory_space<hbm>>) target(%arg9 : memref<128xi32, #tpu.memory_space<vmem>>) target_semaphore(%arg26 : memref<!tpu.dma_semaphore, #tpu.memory_space<semaphore_mem>>)
    %dma_start3A_24 = arith.constant 1 : i32
    %dma_start3A_25 = tpu.memref_slice %arg2[%dma_start3A_24, %multiple_of3A_18] : memref<2x320000xi32, #tpu.memory_space<hbm>> -> memref<1x128xi32, #tpu.memory_space<hbm>>
    %dma_start3A_26 = tpu.memref_squeeze %dma_start3A_25 : memref<1x128xi32, #tpu.memory_space<hbm>> -> memref<128xi32, #tpu.memory_space<hbm>>
    %dma_start3A_27 = tpu.memref_slice %arg2[%dma_start3A_24, %multiple_of3A_18] : memref<2x320000xi32, #tpu.memory_space<hbm>> -> memref<1x128xi32, #tpu.memory_space<hbm>>
    %dma_start3A_28 = tpu.memref_squeeze %dma_start3A_27 : memref<1x128xi32, #tpu.memory_space<hbm>> -> memref<128xi32, #tpu.memory_space<hbm>>
    tpu.enqueue_dma source(%dma_start3A_28 : memref<128xi32, #tpu.memory_space<hbm>>) target(%arg13 : memref<128xi32, #tpu.memory_space<vmem>>) target_semaphore(%arg26 : memref<!tpu.dma_semaphore, #tpu.memory_space<semaphore_mem>>)
    %add3A_29 = arith.constant 2 : i32
    %add3A_30 = arith.addi %mul3A_2, %add3A_29 : i32
    %mul3A_31 = arith.constant 128 : i32
    %mul3A_32 = arith.muli %add3A_30, %mul3A_31 : i32
    %multiple_of3A_33 = tpu.assume_multiple %mul3A_32, 128 : i32
    %dma_start3A_34 = arith.constant 0 : i32
    %dma_start3A_35 = tpu.memref_slice %arg2[%dma_start3A_34, %multiple_of3A_33] : memref<2x320000xi32, #tpu.memory_space<hbm>> -> memref<1x128xi32, #tpu.memory_space<hbm>>
    %dma_start3A_36 = tpu.memref_squeeze %dma_start3A_35 : memref<1x128xi32, #tpu.memory_space<hbm>> -> memref<128xi32, #tpu.memory_space<hbm>>
    %dma_start3A_37 = tpu.memref_slice %arg2[%dma_start3A_34, %multiple_of3A_33] : memref<2x320000xi32, #tpu.memory_space<hbm>> -> memref<1x128xi32, #tpu.memory_space<hbm>>
    %dma_start3A_38 = tpu.memref_squeeze %dma_start3A_37 : memref<1x128xi32, #tpu.memory_space<hbm>> -> memref<128xi32, #tpu.memory_space<hbm>>
    tpu.enqueue_dma source(%dma_start3A_38 : memref<128xi32, #tpu.memory_space<hbm>>) target(%arg10 : memref<128xi32, #tpu.memory_space<vmem>>) target_semaphore(%arg27 : memref<!tpu.dma_semaphore, #tpu.memory_space<semaphore_mem>>)
    %dma_start3A_39 = arith.constant 1 : i32
    %dma_start3A_40 = tpu.memref_slice %arg2[%dma_start3A_39, %multiple_of3A_33] : memref<2x320000xi32, #tpu.memory_space<hbm>> -> memref<1x128xi32, #tpu.memory_space<hbm>>
    %dma_start3A_41 = tpu.memref_squeeze %dma_start3A_40 : memref<1x128xi32, #tpu.memory_space<hbm>> -> memref<128xi32, #tpu.memory_space<hbm>>
    %dma_start3A_42 = tpu.memref_slice %arg2[%dma_start3A_39, %multiple_of3A_33] : memref<2x320000xi32, #tpu.memory_space<hbm>> -> memref<1x128xi32, #tpu.memory_space<hbm>>
    %dma_start3A_43 = tpu.memref_squeeze %dma_start3A_42 : memref<1x128xi32, #tpu.memory_space<hbm>> -> memref<128xi32, #tpu.memory_space<hbm>>
    tpu.enqueue_dma source(%dma_start3A_43 : memref<128xi32, #tpu.memory_space<hbm>>) target(%arg14 : memref<128xi32, #tpu.memory_space<vmem>>) target_semaphore(%arg27 : memref<!tpu.dma_semaphore, #tpu.memory_space<semaphore_mem>>)
    %dma_wait3A = arith.constant 0 : i32
    %dma_wait3A_44 = arith.constant 0 : i32
    %dma_wait3A_45 = tpu.memref_slice %arg2[%dma_wait3A, %dma_wait3A_44] : memref<2x320000xi32, #tpu.memory_space<hbm>> -> memref<1x128xi32, #tpu.memory_space<hbm>>
    %dma_wait3A_46 = tpu.memref_squeeze %dma_wait3A_45 : memref<1x128xi32, #tpu.memory_space<hbm>> -> memref<128xi32, #tpu.memory_space<hbm>>
    %dma_wait3A_47 = arith.constant 0 : i32
    %dma_wait3A_48 = tpu.memref_slice %arg2[%dma_wait3A, %dma_wait3A_47] : memref<2x320000xi32, #tpu.memory_space<hbm>> -> memref<1x128xi32, #tpu.memory_space<hbm>>
    %dma_wait3A_49 = tpu.memref_squeeze %dma_wait3A_48 : memref<1x128xi32, #tpu.memory_space<hbm>> -> memref<128xi32, #tpu.memory_space<hbm>>
    tpu.wait_dma2 semaphore(%arg25 : memref<!tpu.dma_semaphore, #tpu.memory_space<semaphore_mem>>) src(%dma_wait3A_49 : memref<128xi32, #tpu.memory_space<hbm>>) dst(%arg8 : memref<128xi32, #tpu.memory_space<vmem>>)
    %dma_wait3A_50 = arith.constant 0 : i32
    %dma_wait3A_51 = arith.constant 0 : i32
    %dma_wait3A_52 = tpu.memref_slice %arg2[%dma_wait3A_50, %dma_wait3A_51] : memref<2x320000xi32, #tpu.memory_space<hbm>> -> memref<1x128xi32, #tpu.memory_space<hbm>>
    %dma_wait3A_53 = tpu.memref_squeeze %dma_wait3A_52 : memref<1x128xi32, #tpu.memory_space<hbm>> -> memref<128xi32, #tpu.memory_space<hbm>>
    %dma_wait3A_54 = arith.constant 0 : i32
    %dma_wait3A_55 = tpu.memref_slice %arg2[%dma_wait3A_50, %dma_wait3A_54] : memref<2x320000xi32, #tpu.memory_space<hbm>> -> memref<1x128xi32, #tpu.memory_space<hbm>>
    %dma_wait3A_56 = tpu.memref_squeeze %dma_wait3A_55 : memref<1x128xi32, #tpu.memory_space<hbm>> -> memref<128xi32, #tpu.memory_space<hbm>>
    tpu.wait_dma2 semaphore(%arg25 : memref<!tpu.dma_semaphore, #tpu.memory_space<semaphore_mem>>) src(%dma_wait3A_56 : memref<128xi32, #tpu.memory_space<hbm>>) dst(%arg12 : memref<128xi32, #tpu.memory_space<vmem>>)
    %dma_start3A_57 = arith.constant 0 : i32
    %dma_start3A_58 = arith.constant 0 : i32
    %dma_start3A_59 = tpu.memref_slice %arg3[%dma_start3A_57, %dma_start3A_58] : memref<10000x128xf32, #tpu.memory_space<hbm>> -> memref<10000x128xf32, #tpu.memory_space<hbm>>
    tpu.enqueue_indirect_dma source(%dma_start3A_59 : memref<10000x128xf32, #tpu.memory_space<hbm>>) target(%arg16 : memref<128x128xf32, #tpu.memory_space<vmem>>) offsets(%arg8 : memref<128xi32, #tpu.memory_space<vmem>>) semaphore(%arg21 : memref<!tpu.dma_semaphore, #tpu.memory_space<semaphore_mem>>)
    %mul3A_60 = arith.constant 624 : i32
    %mul3A_61 = arith.muli %arg1, %mul3A_60 : i32
    "tpu.region"() ({
      %run_scoped3A = tpu.sem_alloc : memref<!tpu.dma_semaphore, #tpu.memory_space<semaphore_mem>>
      %dma_start3A_389 = arith.constant 0 : i32
      %dma_start3A_390 = tpu.memref_slice %arg19[%mul3A_61, %dma_start3A_389] : memref<10000x128xf32, #tpu.memory_space<vmem_shared>> -> memref<624x128xf32, #tpu.memory_space<vmem_shared>>
      %dma_start3A_391 = arith.constant 0 : i32
      %dma_start3A_392 = tpu.memref_slice %arg4[%mul3A_61, %dma_start3A_391] : memref<10000x128xf32, #tpu.memory_space<hbm>> -> memref<624x128xf32, #tpu.memory_space<hbm>>
      tpu.enqueue_dma source(%dma_start3A_392 : memref<624x128xf32, #tpu.memory_space<hbm>>) target(%dma_start3A_390 : memref<624x128xf32, #tpu.memory_space<vmem_shared>>) target_semaphore(%run_scoped3A : memref<!tpu.dma_semaphore, #tpu.memory_space<semaphore_mem>>)
      %dma_wait3A_393 = arith.constant 0 : i32
      %dma_wait3A_394 = tpu.memref_slice %arg19[%mul3A_61, %dma_wait3A_393] : memref<10000x128xf32, #tpu.memory_space<vmem_shared>> -> memref<624x128xf32, #tpu.memory_space<vmem_shared>>
      %dma_wait3A_395 = arith.constant 0 : i32
      %dma_wait3A_396 = tpu.memref_slice %arg4[%mul3A_61, %dma_wait3A_395] : memref<10000x128xf32, #tpu.memory_space<hbm>> -> memref<624x128xf32, #tpu.memory_space<hbm>>
      tpu.wait_dma2 semaphore(%run_scoped3A : memref<!tpu.dma_semaphore, #tpu.memory_space<semaphore_mem>>) src(%dma_wait3A_396 : memref<624x128xf32, #tpu.memory_space<hbm>>) dst(%dma_wait3A_394 : memref<624x128xf32, #tpu.memory_space<vmem_shared>>)
      tpu.yield
    }) : () -> ()
    %eq3A = arith.constant 15 : i32
    %eq3A_62 = arith.cmpi eq, %arg1, %eq3A : i32
    %convert_element_type3A = arith.extui %eq3A_62 : i1 to i32
    %cond3A = arith.constant 0 : i32
    %cond3A_63 = arith.cmpi ne, %convert_element_type3A, %cond3A : i32
    scf.if %cond3A_63 {
      "tpu.region"() ({
        %run_scoped3A = tpu.sem_alloc : memref<!tpu.dma_semaphore, #tpu.memory_space<semaphore_mem>>
        %dma_start3A_389 = arith.constant 9984 : i32
        %dma_start3A_390 = arith.constant 0 : i32
        %dma_start3A_391 = tpu.memref_slice %arg19[%dma_start3A_389, %dma_start3A_390] : memref<10000x128xf32, #tpu.memory_space<vmem_shared>> -> memref<16x128xf32, #tpu.memory_space<vmem_shared>>
        %dma_start3A_392 = arith.constant 9984 : i32
        %dma_start3A_393 = arith.constant 0 : i32
        %dma_start3A_394 = tpu.memref_slice %arg4[%dma_start3A_392, %dma_start3A_393] : memref<10000x128xf32, #tpu.memory_space<hbm>> -> memref<16x128xf32, #tpu.memory_space<hbm>>
        tpu.enqueue_dma source(%dma_start3A_394 : memref<16x128xf32, #tpu.memory_space<hbm>>) target(%dma_start3A_391 : memref<16x128xf32, #tpu.memory_space<vmem_shared>>) target_semaphore(%run_scoped3A : memref<!tpu.dma_semaphore, #tpu.memory_space<semaphore_mem>>)
        %dma_wait3A_395 = arith.constant 9984 : i32
        %dma_wait3A_396 = arith.constant 0 : i32
        %dma_wait3A_397 = tpu.memref_slice %arg19[%dma_wait3A_395, %dma_wait3A_396] : memref<10000x128xf32, #tpu.memory_space<vmem_shared>> -> memref<16x128xf32, #tpu.memory_space<vmem_shared>>
        %dma_wait3A_398 = arith.constant 9984 : i32
        %dma_wait3A_399 = arith.constant 0 : i32
        %dma_wait3A_400 = tpu.memref_slice %arg4[%dma_wait3A_398, %dma_wait3A_399] : memref<10000x128xf32, #tpu.memory_space<hbm>> -> memref<16x128xf32, #tpu.memory_space<hbm>>
        tpu.wait_dma2 semaphore(%run_scoped3A : memref<!tpu.dma_semaphore, #tpu.memory_space<semaphore_mem>>) src(%dma_wait3A_400 : memref<16x128xf32, #tpu.memory_space<hbm>>) dst(%dma_wait3A_397 : memref<16x128xf32, #tpu.memory_space<vmem_shared>>)
        tpu.yield
      }) : () -> ()
    } else {
    }
    %mul3A_64 = arith.constant 640 : i32
    %mul3A_65 = arith.muli %arg1, %mul3A_64 : i32
    "tpu.region"() ({
      %run_scoped3A = tpu.sem_alloc : memref<!tpu.dma_semaphore, #tpu.memory_space<semaphore_mem>>
      %dma_start3A_389 = tpu.memref_slice %arg20[%mul3A_65] : memref<10240xf32, #tpu.memory_space<vmem_shared>> -> memref<640xf32, #tpu.memory_space<vmem_shared>>
      %dma_start3A_390 = tpu.memref_slice %arg5[%mul3A_65] : memref<10240xf32, #tpu.memory_space<hbm>> -> memref<640xf32, #tpu.memory_space<hbm>>
      tpu.enqueue_dma source(%dma_start3A_390 : memref<640xf32, #tpu.memory_space<hbm>>) target(%dma_start3A_389 : memref<640xf32, #tpu.memory_space<vmem_shared>>) target_semaphore(%run_scoped3A : memref<!tpu.dma_semaphore, #tpu.memory_space<semaphore_mem>>)
      %dma_wait3A_391 = tpu.memref_slice %arg20[%mul3A_65] : memref<10240xf32, #tpu.memory_space<vmem_shared>> -> memref<640xf32, #tpu.memory_space<vmem_shared>>
      %dma_wait3A_392 = tpu.memref_slice %arg5[%mul3A_65] : memref<10240xf32, #tpu.memory_space<hbm>> -> memref<640xf32, #tpu.memory_space<hbm>>
      tpu.wait_dma2 semaphore(%run_scoped3A : memref<!tpu.dma_semaphore, #tpu.memory_space<semaphore_mem>>) src(%dma_wait3A_392 : memref<640xf32, #tpu.memory_space<hbm>>) dst(%dma_wait3A_391 : memref<640xf32, #tpu.memory_space<vmem_shared>>)
      tpu.yield
    }) : () -> ()
    %broadcast_in_dim3A = arith.constant 1.000000e+00 : f32
    %broadcast_in_dim3A_66 = vector.broadcast %broadcast_in_dim3A : f32 to vector<16xf32>
    %swap3A = arith.constant 0 : index
    %swap3A_67 = tpu.vector_load %arg18[%swap3A] {strides = array<i32>} : memref<128xf32, #tpu.memory_space<vmem>>, vector<16xf32>,
    %swap3A_68 = vector.shape_cast %swap3A_67 : vector<16xf32> to vector<16xf32>
    %swap3A_69 = vector.shape_cast %broadcast_in_dim3A_66 : vector<16xf32> to vector<16xf32>
    tpu.vector_store %arg18[%swap3A], %swap3A_69 {strides = array<i32>} : memref<128xf32, #tpu.memory_space<vmem>>, vector<16xf32>,
    %broadcast_in_dim3A_70 = arith.constant 1.000000e+00 : f32
    %broadcast_in_dim3A_71 = vector.broadcast %broadcast_in_dim3A_70 : f32 to vector<16xf32>
    %swap3A_72 = arith.constant 16 : index
    %swap3A_73 = tpu.vector_load %arg18[%swap3A_72] {strides = array<i32>} : memref<128xf32, #tpu.memory_space<vmem>>, vector<16xf32>,
    %swap3A_74 = vector.shape_cast %swap3A_73 : vector<16xf32> to vector<16xf32>
    %swap3A_75 = vector.shape_cast %broadcast_in_dim3A_71 : vector<16xf32> to vector<16xf32>
    tpu.vector_store %arg18[%swap3A_72], %swap3A_75 {strides = array<i32>} : memref<128xf32, #tpu.memory_space<vmem>>, vector<16xf32>,
    %broadcast_in_dim3A_76 = arith.constant 1.000000e+00 : f32
    %broadcast_in_dim3A_77 = vector.broadcast %broadcast_in_dim3A_76 : f32 to vector<16xf32>
    %swap3A_78 = arith.constant 32 : index
    %swap3A_79 = tpu.vector_load %arg18[%swap3A_78] {strides = array<i32>} : memref<128xf32, #tpu.memory_space<vmem>>, vector<16xf32>,
    %swap3A_80 = vector.shape_cast %swap3A_79 : vector<16xf32> to vector<16xf32>
    %swap3A_81 = vector.shape_cast %broadcast_in_dim3A_77 : vector<16xf32> to vector<16xf32>
    tpu.vector_store %arg18[%swap3A_78], %swap3A_81 {strides = array<i32>} : memref<128xf32, #tpu.memory_space<vmem>>, vector<16xf32>,
    %broadcast_in_dim3A_82 = arith.constant 1.000000e+00 : f32
    %broadcast_in_dim3A_83 = vector.broadcast %broadcast_in_dim3A_82 : f32 to vector<16xf32>
    %swap3A_84 = arith.constant 48 : index
    %swap3A_85 = tpu.vector_load %arg18[%swap3A_84] {strides = array<i32>} : memref<128xf32, #tpu.memory_space<vmem>>, vector<16xf32>,
    %swap3A_86 = vector.shape_cast %swap3A_85 : vector<16xf32> to vector<16xf32>
    %swap3A_87 = vector.shape_cast %broadcast_in_dim3A_83 : vector<16xf32> to vector<16xf32>
    tpu.vector_store %arg18[%swap3A_84], %swap3A_87 {strides = array<i32>} : memref<128xf32, #tpu.memory_space<vmem>>, vector<16xf32>,
    %broadcast_in_dim3A_88 = arith.constant 1.000000e+00 : f32
    %broadcast_in_dim3A_89 = vector.broadcast %broadcast_in_dim3A_88 : f32 to vector<16xf32>
    %swap3A_90 = arith.constant 64 : index
    %swap3A_91 = tpu.vector_load %arg18[%swap3A_90] {strides = array<i32>} : memref<128xf32, #tpu.memory_space<vmem>>, vector<16xf32>,
    %swap3A_92 = vector.shape_cast %swap3A_91 : vector<16xf32> to vector<16xf32>
    %swap3A_93 = vector.shape_cast %broadcast_in_dim3A_89 : vector<16xf32> to vector<16xf32>
    tpu.vector_store %arg18[%swap3A_90], %swap3A_93 {strides = array<i32>} : memref<128xf32, #tpu.memory_space<vmem>>, vector<16xf32>,
    %broadcast_in_dim3A_94 = arith.constant 1.000000e+00 : f32
    %broadcast_in_dim3A_95 = vector.broadcast %broadcast_in_dim3A_94 : f32 to vector<16xf32>
    %swap3A_96 = arith.constant 80 : index
    %swap3A_97 = tpu.vector_load %arg18[%swap3A_96] {strides = array<i32>} : memref<128xf32, #tpu.memory_space<vmem>>, vector<16xf32>,
    %swap3A_98 = vector.shape_cast %swap3A_97 : vector<16xf32> to vector<16xf32>
    %swap3A_99 = vector.shape_cast %broadcast_in_dim3A_95 : vector<16xf32> to vector<16xf32>
    tpu.vector_store %arg18[%swap3A_96], %swap3A_99 {strides = array<i32>} : memref<128xf32, #tpu.memory_space<vmem>>, vector<16xf32>,
    %broadcast_in_dim3A_100 = arith.constant 1.000000e+00 : f32
    %broadcast_in_dim3A_101 = vector.broadcast %broadcast_in_dim3A_100 : f32 to vector<16xf32>
    %swap3A_102 = arith.constant 96 : index
    %swap3A_103 = tpu.vector_load %arg18[%swap3A_102] {strides = array<i32>} : memref<128xf32, #tpu.memory_space<vmem>>, vector<16xf32>,
    %swap3A_104 = vector.shape_cast %swap3A_103 : vector<16xf32> to vector<16xf32>
    %swap3A_105 = vector.shape_cast %broadcast_in_dim3A_101 : vector<16xf32> to vector<16xf32>
    tpu.vector_store %arg18[%swap3A_102], %swap3A_105 {strides = array<i32>} : memref<128xf32, #tpu.memory_space<vmem>>, vector<16xf32>,
    %broadcast_in_dim3A_106 = arith.constant 1.000000e+00 : f32
    %broadcast_in_dim3A_107 = vector.broadcast %broadcast_in_dim3A_106 : f32 to vector<16xf32>
    %swap3A_108 = arith.constant 112 : index
    %swap3A_109 = tpu.vector_load %arg18[%swap3A_108] {strides = array<i32>} : memref<128xf32, #tpu.memory_space<vmem>>, vector<16xf32>,
    %swap3A_110 = vector.shape_cast %swap3A_109 : vector<16xf32> to vector<16xf32>
    %swap3A_111 = vector.shape_cast %broadcast_in_dim3A_107 : vector<16xf32> to vector<16xf32>
    tpu.vector_store %arg18[%swap3A_108], %swap3A_111 {strides = array<i32>} : memref<128xf32, #tpu.memory_space<vmem>>, vector<16xf32>,
    %barrier3A = arith.constant 0 : index
    tpu.barrier barrier_id(%barrier3A)
    %dma_wait3A_112 = arith.constant 0 : i32
    %dma_wait3A_113 = arith.constant 0 : i32
    %dma_wait3A_114 = tpu.memref_slice %arg2[%dma_wait3A_112, %dma_wait3A_113] : memref<2x320000xi32, #tpu.memory_space<hbm>> -> memref<1x128xi32, #tpu.memory_space<hbm>>
    %dma_wait3A_115 = tpu.memref_squeeze %dma_wait3A_114 : memref<1x128xi32, #tpu.memory_space<hbm>> -> memref<128xi32, #tpu.memory_space<hbm>>
    %dma_wait3A_116 = arith.constant 0 : i32
    %dma_wait3A_117 = tpu.memref_slice %arg2[%dma_wait3A_112, %dma_wait3A_116] : memref<2x320000xi32, #tpu.memory_space<hbm>> -> memref<1x128xi32, #tpu.memory_space<hbm>>
    %dma_wait3A_118 = tpu.memref_squeeze %dma_wait3A_117 : memref<1x128xi32, #tpu.memory_space<hbm>> -> memref<128xi32, #tpu.memory_space<hbm>>
    tpu.wait_dma2 semaphore(%arg26 : memref<!tpu.dma_semaphore, #tpu.memory_space<semaphore_mem>>) src(%dma_wait3A_118 : memref<128xi32, #tpu.memory_space<hbm>>) dst(%arg9 : memref<128xi32, #tpu.memory_space<vmem>>)
    %dma_wait3A_119 = arith.constant 0 : i32
    %dma_wait3A_120 = arith.constant 0 : i32
    %dma_wait3A_121 = tpu.memref_slice %arg2[%dma_wait3A_119, %dma_wait3A_120] : memref<2x320000xi32, #tpu.memory_space<hbm>> -> memref<1x128xi32, #tpu.memory_space<hbm>>
    %dma_wait3A_122 = tpu.memref_squeeze %dma_wait3A_121 : memref<1x128xi32, #tpu.memory_space<hbm>> -> memref<128xi32, #tpu.memory_space<hbm>>
    %dma_wait3A_123 = arith.constant 0 : i32
    %dma_wait3A_124 = tpu.memref_slice %arg2[%dma_wait3A_119, %dma_wait3A_123] : memref<2x320000xi32, #tpu.memory_space<hbm>> -> memref<1x128xi32, #tpu.memory_space<hbm>>
    %dma_wait3A_125 = tpu.memref_squeeze %dma_wait3A_124 : memref<1x128xi32, #tpu.memory_space<hbm>> -> memref<128xi32, #tpu.memory_space<hbm>>
    tpu.wait_dma2 semaphore(%arg26 : memref<!tpu.dma_semaphore, #tpu.memory_space<semaphore_mem>>) src(%dma_wait3A_125 : memref<128xi32, #tpu.memory_space<hbm>>) dst(%arg13 : memref<128xi32, #tpu.memory_space<vmem>>)
    %dma_start3A_126 = arith.constant 0 : i32
    %dma_start3A_127 = arith.constant 0 : i32
    %dma_start3A_128 = tpu.memref_slice %arg3[%dma_start3A_126, %dma_start3A_127] : memref<10000x128xf32, #tpu.memory_space<hbm>> -> memref<10000x128xf32, #tpu.memory_space<hbm>>
    tpu.enqueue_indirect_dma source(%dma_start3A_128 : memref<10000x128xf32, #tpu.memory_space<hbm>>) target(%arg17 : memref<128x128xf32, #tpu.memory_space<vmem>>) offsets(%arg9 : memref<128xi32, #tpu.memory_space<vmem>>) semaphore(%arg22 : memref<!tpu.dma_semaphore, #tpu.memory_space<semaphore_mem>>)
    %dma_wait3A_129 = arith.constant 0 : i32
    %dma_wait3A_130 = arith.constant 0 : i32
    %dma_wait3A_131 = tpu.memref_slice %arg3[%dma_wait3A_129, %dma_wait3A_130] : memref<10000x128xf32, #tpu.memory_space<hbm>> -> memref<128x128xf32, #tpu.memory_space<hbm>>
    %dma_wait3A_132 = arith.constant 0 : i32
    %dma_wait3A_133 = arith.constant 0 : i32
    %dma_wait3A_134 = tpu.memref_slice %arg3[%dma_wait3A_132, %dma_wait3A_133] : memref<10000x128xf32, #tpu.memory_space<hbm>> -> memref<128x128xf32, #tpu.memory_space<hbm>>
    tpu.wait_dma2 semaphore(%arg21 : memref<!tpu.dma_semaphore, #tpu.memory_space<semaphore_mem>>) src(%dma_wait3A_134 : memref<128x128xf32, #tpu.memory_space<hbm>>) dst(%arg16 : memref<128x128xf32, #tpu.memory_space<vmem>>)
    %dma_start3A_135 = arith.constant 0 : i32
    %dma_start3A_136 = arith.constant 0 : i32
    %dma_start3A_137 = tpu.memref_slice %arg19[%dma_start3A_135, %dma_start3A_136] : memref<10000x128xf32, #tpu.memory_space<vmem_shared>> -> memref<10000x128xf32, #tpu.memory_space<vmem_shared>>
    tpu.enqueue_indirect_dma source(%arg16 : memref<128x128xf32, #tpu.memory_space<vmem>>) target(%dma_start3A_137 : memref<10000x128xf32, #tpu.memory_space<vmem_shared>>) offsets(%arg12 : memref<128xi32, #tpu.memory_space<vmem>>) semaphore(%arg23 : memref<!tpu.dma_semaphore, #tpu.memory_space<semaphore_mem>>) {add = true}
    %dma_start3A_138 = arith.constant 0 : i32
    %dma_start3A_139 = tpu.memref_slice %arg20[%dma_start3A_138] : memref<10240xf32, #tpu.memory_space<vmem_shared>> -> memref<10240xf32, #tpu.memory_space<vmem_shared>>
    tpu.enqueue_indirect_dma source(%arg18 : memref<128xf32, #tpu.memory_space<vmem>>) target(%dma_start3A_139 : memref<10240xf32, #tpu.memory_space<vmem_shared>>) offsets(%arg12 : memref<128xi32, #tpu.memory_space<vmem>>) semaphore(%arg23 : memref<!tpu.dma_semaphore, #tpu.memory_space<semaphore_mem>>) {add = true}
    %add3A_140 = arith.constant 0 : i32
    %add3A_141 = arith.addi %mul3A_2, %add3A_140 : i32
    %add3A_142 = arith.constant 3 : i32
    %add3A_143 = arith.addi %add3A_141, %add3A_142 : i32
    %mul3A_144 = arith.constant 128 : i32
    %mul3A_145 = arith.muli %add3A_143, %mul3A_144 : i32
    %multiple_of3A_146 = tpu.assume_multiple %mul3A_145, 128 : i32
    %dma_start3A_147 = arith.constant 0 : i32
    %dma_start3A_148 = tpu.memref_slice %arg2[%dma_start3A_147, %multiple_of3A_146] : memref<2x320000xi32, #tpu.memory_space<hbm>> -> memref<1x128xi32, #tpu.memory_space<hbm>>
    %dma_start3A_149 = tpu.memref_squeeze %dma_start3A_148 : memref<1x128xi32, #tpu.memory_space<hbm>> -> memref<128xi32, #tpu.memory_space<hbm>>
    %dma_start3A_150 = tpu.memref_slice %arg2[%dma_start3A_147, %multiple_of3A_146] : memref<2x320000xi32, #tpu.memory_space<hbm>> -> memref<1x128xi32, #tpu.memory_space<hbm>>
    %dma_start3A_151 = tpu.memref_squeeze %dma_start3A_150 : memref<1x128xi32, #tpu.memory_space<hbm>> -> memref<128xi32, #tpu.memory_space<hbm>>
    tpu.enqueue_dma source(%dma_start3A_151 : memref<128xi32, #tpu.memory_space<hbm>>) target(%arg11 : memref<128xi32, #tpu.memory_space<vmem>>) target_semaphore(%arg28 : memref<!tpu.dma_semaphore, #tpu.memory_space<semaphore_mem>>)
    %dma_start3A_152 = arith.constant 1 : i32
    %dma_start3A_153 = tpu.memref_slice %arg2[%dma_start3A_152, %multiple_of3A_146] : memref<2x320000xi32, #tpu.memory_space<hbm>> -> memref<1x128xi32, #tpu.memory_space<hbm>>
    %dma_start3A_154 = tpu.memref_squeeze %dma_start3A_153 : memref<1x128xi32, #tpu.memory_space<hbm>> -> memref<128xi32, #tpu.memory_space<hbm>>
    %dma_start3A_155 = tpu.memref_slice %arg2[%dma_start3A_152, %multiple_of3A_146] : memref<2x320000xi32, #tpu.memory_space<hbm>> -> memref<1x128xi32, #tpu.memory_space<hbm>>
    %dma_start3A_156 = tpu.memref_squeeze %dma_start3A_155 : memref<1x128xi32, #tpu.memory_space<hbm>> -> memref<128xi32, #tpu.memory_space<hbm>>
    tpu.enqueue_dma source(%dma_start3A_156 : memref<128xi32, #tpu.memory_space<hbm>>) target(%arg15 : memref<128xi32, #tpu.memory_space<vmem>>) target_semaphore(%arg28 : memref<!tpu.dma_semaphore, #tpu.memory_space<semaphore_mem>>)
    %dma_wait3A_157 = arith.constant 0 : i32
    %dma_wait3A_158 = arith.constant 0 : i32
    %dma_wait3A_159 = tpu.memref_slice %arg3[%dma_wait3A_157, %dma_wait3A_158] : memref<10000x128xf32, #tpu.memory_space<hbm>> -> memref<128x128xf32, #tpu.memory_space<hbm>>
    %dma_wait3A_160 = arith.constant 0 : i32
    %dma_wait3A_161 = arith.constant 0 : i32
    %dma_wait3A_162 = tpu.memref_slice %arg3[%dma_wait3A_160, %dma_wait3A_161] : memref<10000x128xf32, #tpu.memory_space<hbm>> -> memref<128x128xf32, #tpu.memory_space<hbm>>
    tpu.wait_dma2 semaphore(%arg23 : memref<!tpu.dma_semaphore, #tpu.memory_space<semaphore_mem>>) src(%dma_wait3A_162 : memref<128x128xf32, #tpu.memory_space<hbm>>) dst(%arg16 : memref<128x128xf32, #tpu.memory_space<vmem>>)
    %dma_wait3A_163 = arith.constant 0 : i32
    %dma_wait3A_164 = tpu.memref_slice %arg5[%dma_wait3A_163] : memref<10240xf32, #tpu.memory_space<hbm>> -> memref<128xf32, #tpu.memory_space<hbm>>
    %dma_wait3A_165 = arith.constant 0 : i32
    %dma_wait3A_166 = tpu.memref_slice %arg5[%dma_wait3A_165] : memref<10240xf32, #tpu.memory_space<hbm>> -> memref<128xf32, #tpu.memory_space<hbm>>
    tpu.wait_dma2 semaphore(%arg23 : memref<!tpu.dma_semaphore, #tpu.memory_space<semaphore_mem>>) src(%dma_wait3A_166 : memref<128xf32, #tpu.memory_space<hbm>>) dst(%arg18 : memref<128xf32, #tpu.memory_space<vmem>>)
    %dma_wait3A_167 = arith.constant 0 : i32
    %dma_wait3A_168 = arith.constant 0 : i32
    %dma_wait3A_169 = tpu.memref_slice %arg2[%dma_wait3A_167, %dma_wait3A_168] : memref<2x320000xi32, #tpu.memory_space<hbm>> -> memref<1x128xi32, #tpu.memory_space<hbm>>
    %dma_wait3A_170 = tpu.memref_squeeze %dma_wait3A_169 : memref<1x128xi32, #tpu.memory_space<hbm>> -> memref<128xi32, #tpu.memory_space<hbm>>
    %dma_wait3A_171 = arith.constant 0 : i32
    %dma_wait3A_172 = tpu.memref_slice %arg2[%dma_wait3A_167, %dma_wait3A_171] : memref<2x320000xi32, #tpu.memory_space<hbm>> -> memref<1x128xi32, #tpu.memory_space<hbm>>
    %dma_wait3A_173 = tpu.memref_squeeze %dma_wait3A_172 : memref<1x128xi32, #tpu.memory_space<hbm>> -> memref<128xi32, #tpu.memory_space<hbm>>
    tpu.wait_dma2 semaphore(%arg27 : memref<!tpu.dma_semaphore, #tpu.memory_space<semaphore_mem>>) src(%dma_wait3A_173 : memref<128xi32, #tpu.memory_space<hbm>>) dst(%arg10 : memref<128xi32, #tpu.memory_space<vmem>>)
    %dma_wait3A_174 = arith.constant 0 : i32
    %dma_wait3A_175 = arith.constant 0 : i32
    %dma_wait3A_176 = tpu.memref_slice %arg2[%dma_wait3A_174, %dma_wait3A_175] : memref<2x320000xi32, #tpu.memory_space<hbm>> -> memref<1x128xi32, #tpu.memory_space<hbm>>
    %dma_wait3A_177 = tpu.memref_squeeze %dma_wait3A_176 : memref<1x128xi32, #tpu.memory_space<hbm>> -> memref<128xi32, #tpu.memory_space<hbm>>
    %dma_wait3A_178 = arith.constant 0 : i32
    %dma_wait3A_179 = tpu.memref_slice %arg2[%dma_wait3A_174, %dma_wait3A_178] : memref<2x320000xi32, #tpu.memory_space<hbm>> -> memref<1x128xi32, #tpu.memory_space<hbm>>
    %dma_wait3A_180 = tpu.memref_squeeze %dma_wait3A_179 : memref<1x128xi32, #tpu.memory_space<hbm>> -> memref<128xi32, #tpu.memory_space<hbm>>
    tpu.wait_dma2 semaphore(%arg27 : memref<!tpu.dma_semaphore, #tpu.memory_space<semaphore_mem>>) src(%dma_wait3A_180 : memref<128xi32, #tpu.memory_space<hbm>>) dst(%arg14 : memref<128xi32, #tpu.memory_space<vmem>>)
    %dma_start3A_181 = arith.constant 0 : i32
    %dma_start3A_182 = arith.constant 0 : i32
    %dma_start3A_183 = tpu.memref_slice %arg3[%dma_start3A_181, %dma_start3A_182] : memref<10000x128xf32, #tpu.memory_space<hbm>> -> memref<10000x128xf32, #tpu.memory_space<hbm>>
    tpu.enqueue_indirect_dma source(%dma_start3A_183 : memref<10000x128xf32, #tpu.memory_space<hbm>>) target(%arg16 : memref<128x128xf32, #tpu.memory_space<vmem>>) offsets(%arg10 : memref<128xi32, #tpu.memory_space<vmem>>) semaphore(%arg21 : memref<!tpu.dma_semaphore, #tpu.memory_space<semaphore_mem>>)
    %dma_wait3A_184 = arith.constant 0 : i32
    %dma_wait3A_185 = arith.constant 0 : i32
    %dma_wait3A_186 = tpu.memref_slice %arg3[%dma_wait3A_184, %dma_wait3A_185] : memref<10000x128xf32, #tpu.memory_space<hbm>> -> memref<128x128xf32, #tpu.memory_space<hbm>>
    %dma_wait3A_187 = arith.constant 0 : i32
    %dma_wait3A_188 = arith.constant 0 : i32
    %dma_wait3A_189 = tpu.memref_slice %arg3[%dma_wait3A_187, %dma_wait3A_188] : memref<10000x128xf32, #tpu.memory_space<hbm>> -> memref<128x128xf32, #tpu.memory_space<hbm>>
    tpu.wait_dma2 semaphore(%arg22 : memref<!tpu.dma_semaphore, #tpu.memory_space<semaphore_mem>>) src(%dma_wait3A_189 : memref<128x128xf32, #tpu.memory_space<hbm>>) dst(%arg17 : memref<128x128xf32, #tpu.memory_space<vmem>>)
    %dma_start3A_190 = arith.constant 0 : i32
    %dma_start3A_191 = arith.constant 0 : i32
    %dma_start3A_192 = tpu.memref_slice %arg19[%dma_start3A_190, %dma_start3A_191] : memref<10000x128xf32, #tpu.memory_space<vmem_shared>> -> memref<10000x128xf32, #tpu.memory_space<vmem_shared>>
    tpu.enqueue_indirect_dma source(%arg17 : memref<128x128xf32, #tpu.memory_space<vmem>>) target(%dma_start3A_192 : memref<10000x128xf32, #tpu.memory_space<vmem_shared>>) offsets(%arg13 : memref<128xi32, #tpu.memory_space<vmem>>) semaphore(%arg24 : memref<!tpu.dma_semaphore, #tpu.memory_space<semaphore_mem>>) {add = true}
    %dma_start3A_193 = arith.constant 0 : i32
    %dma_start3A_194 = tpu.memref_slice %arg20[%dma_start3A_193] : memref<10240xf32, #tpu.memory_space<vmem_shared>> -> memref<10240xf32, #tpu.memory_space<vmem_shared>>
    tpu.enqueue_indirect_dma source(%arg18 : memref<128xf32, #tpu.memory_space<vmem>>) target(%dma_start3A_194 : memref<10240xf32, #tpu.memory_space<vmem_shared>>) offsets(%arg13 : memref<128xi32, #tpu.memory_space<vmem>>) semaphore(%arg24 : memref<!tpu.dma_semaphore, #tpu.memory_space<semaphore_mem>>) {add = true}
    %add3A_195 = arith.constant 1 : i32
    %add3A_196 = arith.addi %mul3A_2, %add3A_195 : i32
    %add3A_197 = arith.constant 3 : i32
    %add3A_198 = arith.addi %add3A_196, %add3A_197 : i32
    %mul3A_199 = arith.constant 128 : i32
    %mul3A_200 = arith.muli %add3A_198, %mul3A_199 : i32
    %multiple_of3A_201 = tpu.assume_multiple %mul3A_200, 128 : i32
    %dma_start3A_202 = arith.constant 0 : i32
    %dma_start3A_203 = tpu.memref_slice %arg2[%dma_start3A_202, %multiple_of3A_201] : memref<2x320000xi32, #tpu.memory_space<hbm>> -> memref<1x128xi32, #tpu.memory_space<hbm>>
    %dma_start3A_204 = tpu.memref_squeeze %dma_start3A_203 : memref<1x128xi32, #tpu.memory_space<hbm>> -> memref<128xi32, #tpu.memory_space<hbm>>
    %dma_start3A_205 = tpu.memref_slice %arg2[%dma_start3A_202, %multiple_of3A_201] : memref<2x320000xi32, #tpu.memory_space<hbm>> -> memref<1x128xi32, #tpu.memory_space<hbm>>
    %dma_start3A_206 = tpu.memref_squeeze %dma_start3A_205 : memref<1x128xi32, #tpu.memory_space<hbm>> -> memref<128xi32, #tpu.memory_space<hbm>>
    tpu.enqueue_dma source(%dma_start3A_206 : memref<128xi32, #tpu.memory_space<hbm>>) target(%arg8 : memref<128xi32, #tpu.memory_space<vmem>>) target_semaphore(%arg25 : memref<!tpu.dma_semaphore, #tpu.memory_space<semaphore_mem>>)
    %dma_start3A_207 = arith.constant 1 : i32
    %dma_start3A_208 = tpu.memref_slice %arg2[%dma_start3A_207, %multiple_of3A_201] : memref<2x320000xi32, #tpu.memory_space<hbm>> -> memref<1x128xi32, #tpu.memory_space<hbm>>
    %dma_start3A_209 = tpu.memref_squeeze %dma_start3A_208 : memref<1x128xi32, #tpu.memory_space<hbm>> -> memref<128xi32, #tpu.memory_space<hbm>>
    %dma_start3A_210 = tpu.memref_slice %arg2[%dma_start3A_207, %multiple_of3A_201] : memref<2x320000xi32, #tpu.memory_space<hbm>> -> memref<1x128xi32, #tpu.memory_space<hbm>>
    %dma_start3A_211 = tpu.memref_squeeze %dma_start3A_210 : memref<1x128xi32, #tpu.memory_space<hbm>> -> memref<128xi32, #tpu.memory_space<hbm>>
    tpu.enqueue_dma source(%dma_start3A_211 : memref<128xi32, #tpu.memory_space<hbm>>) target(%arg12 : memref<128xi32, #tpu.memory_space<vmem>>) target_semaphore(%arg25 : memref<!tpu.dma_semaphore, #tpu.memory_space<semaphore_mem>>)
    %scan3A = arith.constant 0 : i32
    %scan3A_212 = arith.constant 0 : i32
    %scan3A_213 = arith.constant 18 : i32
    %scan3A_214 = arith.addi %scan3A_212, %scan3A_213 : i32
    %scan3A_215 = arith.constant 1 : i32
    scf.for %scan3A_389 = %scan3A_212 to %scan3A_214 step %scan3A_215  : i32 {
      %mul3A_390 = arith.constant 4 : i32
      %mul3A_391 = arith.muli %mul3A_390, %scan3A_389 : i32
      %add3A_392 = arith.constant 2 : i32
      %add3A_393 = arith.addi %mul3A_391, %add3A_392 : i32
      %dma_wait3A_394 = arith.constant 0 : i32
      %dma_wait3A_395 = arith.constant 0 : i32
      %dma_wait3A_396 = tpu.memref_slice %arg3[%dma_wait3A_394, %dma_wait3A_395] : memref<10000x128xf32, #tpu.memory_space<hbm>> -> memref<128x128xf32, #tpu.memory_space<hbm>>
      %dma_wait3A_397 = arith.constant 0 : i32
      %dma_wait3A_398 = arith.constant 0 : i32
      %dma_wait3A_399 = tpu.memref_slice %arg3[%dma_wait3A_397, %dma_wait3A_398] : memref<10000x128xf32, #tpu.memory_space<hbm>> -> memref<128x128xf32, #tpu.memory_space<hbm>>
      tpu.wait_dma2 semaphore(%arg24 : memref<!tpu.dma_semaphore, #tpu.memory_space<semaphore_mem>>) src(%dma_wait3A_399 : memref<128x128xf32, #tpu.memory_space<hbm>>) dst(%arg17 : memref<128x128xf32, #tpu.memory_space<vmem>>)
      %dma_wait3A_400 = arith.constant 0 : i32
      %dma_wait3A_401 = tpu.memref_slice %arg5[%dma_wait3A_400] : memref<10240xf32, #tpu.memory_space<hbm>> -> memref<128xf32, #tpu.memory_space<hbm>>
      %dma_wait3A_402 = arith.constant 0 : i32
      %dma_wait3A_403 = tpu.memref_slice %arg5[%dma_wait3A_402] : memref<10240xf32, #tpu.memory_space<hbm>> -> memref<128xf32, #tpu.memory_space<hbm>>
      tpu.wait_dma2 semaphore(%arg24 : memref<!tpu.dma_semaphore, #tpu.memory_space<semaphore_mem>>) src(%dma_wait3A_403 : memref<128xf32, #tpu.memory_space<hbm>>) dst(%arg18 : memref<128xf32, #tpu.memory_space<vmem>>)
      %dma_wait3A_404 = arith.constant 0 : i32
      %dma_wait3A_405 = arith.constant 0 : i32
      %dma_wait3A_406 = tpu.memref_slice %arg2[%dma_wait3A_404, %dma_wait3A_405] : memref<2x320000xi32, #tpu.memory_space<hbm>> -> memref<1x128xi32, #tpu.memory_space<hbm>>
      %dma_wait3A_407 = tpu.memref_squeeze %dma_wait3A_406 : memref<1x128xi32, #tpu.memory_space<hbm>> -> memref<128xi32, #tpu.memory_space<hbm>>
      %dma_wait3A_408 = arith.constant 0 : i32
      %dma_wait3A_409 = tpu.memref_slice %arg2[%dma_wait3A_404, %dma_wait3A_408] : memref<2x320000xi32, #tpu.memory_space<hbm>> -> memref<1x128xi32, #tpu.memory_space<hbm>>
      %dma_wait3A_410 = tpu.memref_squeeze %dma_wait3A_409 : memref<1x128xi32, #tpu.memory_space<hbm>> -> memref<128xi32, #tpu.memory_space<hbm>>
      tpu.wait_dma2 semaphore(%arg28 : memref<!tpu.dma_semaphore, #tpu.memory_space<semaphore_mem>>) src(%dma_wait3A_410 : memref<128xi32, #tpu.memory_space<hbm>>) dst(%arg11 : memref<128xi32, #tpu.memory_space<vmem>>)
      %dma_wait3A_411 = arith.constant 0 : i32
      %dma_wait3A_412 = arith.constant 0 : i32
      %dma_wait3A_413 = tpu.memref_slice %arg2[%dma_wait3A_411, %dma_wait3A_412] : memref<2x320000xi32, #tpu.memory_space<hbm>> -> memref<1x128xi32, #tpu.memory_space<hbm>>
      %dma_wait3A_414 = tpu.memref_squeeze %dma_wait3A_413 : memref<1x128xi32, #tpu.memory_space<hbm>> -> memref<128xi32, #tpu.memory_space<hbm>>
      %dma_wait3A_415 = arith.constant 0 : i32
      %dma_wait3A_416 = tpu.memref_slice %arg2[%dma_wait3A_411, %dma_wait3A_415] : memref<2x320000xi32, #tpu.memory_space<hbm>> -> memref<1x128xi32, #tpu.memory_space<hbm>>
      %dma_wait3A_417 = tpu.memref_squeeze %dma_wait3A_416 : memref<1x128xi32, #tpu.memory_space<hbm>> -> memref<128xi32, #tpu.memory_space<hbm>>
      tpu.wait_dma2 semaphore(%arg28 : memref<!tpu.dma_semaphore, #tpu.memory_space<semaphore_mem>>) src(%dma_wait3A_417 : memref<128xi32, #tpu.memory_space<hbm>>) dst(%arg15 : memref<128xi32, #tpu.memory_space<vmem>>)
      %dma_start3A_418 = arith.constant 0 : i32
      %dma_start3A_419 = arith.constant 0 : i32
      %dma_start3A_420 = tpu.memref_slice %arg3[%dma_start3A_418, %dma_start3A_419] : memref<10000x128xf32, #tpu.memory_space<hbm>> -> memref<10000x128xf32, #tpu.memory_space<hbm>>
      tpu.enqueue_indirect_dma source(%dma_start3A_420 : memref<10000x128xf32, #tpu.memory_space<hbm>>) target(%arg17 : memref<128x128xf32, #tpu.memory_space<vmem>>) offsets(%arg11 : memref<128xi32, #tpu.memory_space<vmem>>) semaphore(%arg22 : memref<!tpu.dma_semaphore, #tpu.memory_space<semaphore_mem>>)
      %dma_wait3A_421 = arith.constant 0 : i32
      %dma_wait3A_422 = arith.constant 0 : i32
      %dma_wait3A_423 = tpu.memref_slice %arg3[%dma_wait3A_421, %dma_wait3A_422] : memref<10000x128xf32, #tpu.memory_space<hbm>> -> memref<128x128xf32, #tpu.memory_space<hbm>>
      %dma_wait3A_424 = arith.constant 0 : i32
      %dma_wait3A_425 = arith.constant 0 : i32
      %dma_wait3A_426 = tpu.memref_slice %arg3[%dma_wait3A_424, %dma_wait3A_425] : memref<10000x128xf32, #tpu.memory_space<hbm>> -> memref<128x128xf32, #tpu.memory_space<hbm>>
      tpu.wait_dma2 semaphore(%arg21 : memref<!tpu.dma_semaphore, #tpu.memory_space<semaphore_mem>>) src(%dma_wait3A_426 : memref<128x128xf32, #tpu.memory_space<hbm>>) dst(%arg16 : memref<128x128xf32, #tpu.memory_space<vmem>>)
      %dma_start3A_427 = arith.constant 0 : i32
      %dma_start3A_428 = arith.constant 0 : i32
      %dma_start3A_429 = tpu.memref_slice %arg19[%dma_start3A_427, %dma_start3A_428] : memref<10000x128xf32, #tpu.memory_space<vmem_shared>> -> memref<10000x128xf32, #tpu.memory_space<vmem_shared>>
      tpu.enqueue_indirect_dma source(%arg16 : memref<128x128xf32, #tpu.memory_space<vmem>>) target(%dma_start3A_429 : memref<10000x128xf32, #tpu.memory_space<vmem_shared>>) offsets(%arg14 : memref<128xi32, #tpu.memory_space<vmem>>) semaphore(%arg23 : memref<!tpu.dma_semaphore, #tpu.memory_space<semaphore_mem>>) {add = true}
      %dma_start3A_430 = arith.constant 0 : i32
      %dma_start3A_431 = tpu.memref_slice %arg20[%dma_start3A_430] : memref<10240xf32, #tpu.memory_space<vmem_shared>> -> memref<10240xf32, #tpu.memory_space<vmem_shared>>
      tpu.enqueue_indirect_dma source(%arg18 : memref<128xf32, #tpu.memory_space<vmem>>) target(%dma_start3A_431 : memref<10240xf32, #tpu.memory_space<vmem_shared>>) offsets(%arg14 : memref<128xi32, #tpu.memory_space<vmem>>) semaphore(%arg23 : memref<!tpu.dma_semaphore, #tpu.memory_space<semaphore_mem>>) {add = true}
      %add3A_432 = arith.addi %mul3A_2, %add3A_393 : i32
      %add3A_433 = arith.constant 3 : i32
      %add3A_434 = arith.addi %add3A_432, %add3A_433 : i32
      %mul3A_435 = arith.constant 128 : i32
      %mul3A_436 = arith.muli %add3A_434, %mul3A_435 : i32
      %multiple_of3A_437 = tpu.assume_multiple %mul3A_436, 128 : i32
      %dma_start3A_438 = arith.constant 0 : i32
      %dma_start3A_439 = tpu.memref_slice %arg2[%dma_start3A_438, %multiple_of3A_437] : memref<2x320000xi32, #tpu.memory_space<hbm>> -> memref<1x128xi32, #tpu.memory_space<hbm>>
      %dma_start3A_440 = tpu.memref_squeeze %dma_start3A_439 : memref<1x128xi32, #tpu.memory_space<hbm>> -> memref<128xi32, #tpu.memory_space<hbm>>
      %dma_start3A_441 = tpu.memref_slice %arg2[%dma_start3A_438, %multiple_of3A_437] : memref<2x320000xi32, #tpu.memory_space<hbm>> -> memref<1x128xi32, #tpu.memory_space<hbm>>
      %dma_start3A_442 = tpu.memref_squeeze %dma_start3A_441 : memref<1x128xi32, #tpu.memory_space<hbm>> -> memref<128xi32, #tpu.memory_space<hbm>>
      tpu.enqueue_dma source(%dma_start3A_442 : memref<128xi32, #tpu.memory_space<hbm>>) target(%arg9 : memref<128xi32, #tpu.memory_space<vmem>>) target_semaphore(%arg26 : memref<!tpu.dma_semaphore, #tpu.memory_space<semaphore_mem>>)
      %dma_start3A_443 = arith.constant 1 : i32
      %dma_start3A_444 = tpu.memref_slice %arg2[%dma_start3A_443, %multiple_of3A_437] : memref<2x320000xi32, #tpu.memory_space<hbm>> -> memref<1x128xi32, #tpu.memory_space<hbm>>
      %dma_start3A_445 = tpu.memref_squeeze %dma_start3A_444 : memref<1x128xi32, #tpu.memory_space<hbm>> -> memref<128xi32, #tpu.memory_space<hbm>>
      %dma_start3A_446 = tpu.memref_slice %arg2[%dma_start3A_443, %multiple_of3A_437] : memref<2x320000xi32, #tpu.memory_space<hbm>> -> memref<1x128xi32, #tpu.memory_space<hbm>>
      %dma_start3A_447 = tpu.memref_squeeze %dma_start3A_446 : memref<1x128xi32, #tpu.memory_space<hbm>> -> memref<128xi32, #tpu.memory_space<hbm>>
      tpu.enqueue_dma source(%dma_start3A_447 : memref<128xi32, #tpu.memory_space<hbm>>) target(%arg13 : memref<128xi32, #tpu.memory_space<vmem>>) target_semaphore(%arg26 : memref<!tpu.dma_semaphore, #tpu.memory_space<semaphore_mem>>)
      %add3A_448 = arith.constant 1 : i32
      %add3A_449 = arith.addi %add3A_393, %add3A_448 : i32
      %dma_wait3A_450 = arith.constant 0 : i32
      %dma_wait3A_451 = arith.constant 0 : i32
      %dma_wait3A_452 = tpu.memref_slice %arg3[%dma_wait3A_450, %dma_wait3A_451] : memref<10000x128xf32, #tpu.memory_space<hbm>> -> memref<128x128xf32, #tpu.memory_space<hbm>>
      %dma_wait3A_453 = arith.constant 0 : i32
      %dma_wait3A_454 = arith.constant 0 : i32
      %dma_wait3A_455 = tpu.memref_slice %arg3[%dma_wait3A_453, %dma_wait3A_454] : memref<10000x128xf32, #tpu.memory_space<hbm>> -> memref<128x128xf32, #tpu.memory_space<hbm>>
      tpu.wait_dma2 semaphore(%arg23 : memref<!tpu.dma_semaphore, #tpu.memory_space<semaphore_mem>>) src(%dma_wait3A_455 : memref<128x128xf32, #tpu.memory_space<hbm>>) dst(%arg16 : memref<128x128xf32, #tpu.memory_space<vmem>>)
      %dma_wait3A_456 = arith.constant 0 : i32
      %dma_wait3A_457 = tpu.memref_slice %arg5[%dma_wait3A_456] : memref<10240xf32, #tpu.memory_space<hbm>> -> memref<128xf32, #tpu.memory_space<hbm>>
      %dma_wait3A_458 = arith.constant 0 : i32
      %dma_wait3A_459 = tpu.memref_slice %arg5[%dma_wait3A_458] : memref<10240xf32, #tpu.memory_space<hbm>> -> memref<128xf32, #tpu.memory_space<hbm>>
      tpu.wait_dma2 semaphore(%arg23 : memref<!tpu.dma_semaphore, #tpu.memory_space<semaphore_mem>>) src(%dma_wait3A_459 : memref<128xf32, #tpu.memory_space<hbm>>) dst(%arg18 : memref<128xf32, #tpu.memory_space<vmem>>)
      %dma_wait3A_460 = arith.constant 0 : i32
      %dma_wait3A_461 = arith.constant 0 : i32
      %dma_wait3A_462 = tpu.memref_slice %arg2[%dma_wait3A_460, %dma_wait3A_461] : memref<2x320000xi32, #tpu.memory_space<hbm>> -> memref<1x128xi32, #tpu.memory_space<hbm>>
      %dma_wait3A_463 = tpu.memref_squeeze %dma_wait3A_462 : memref<1x128xi32, #tpu.memory_space<hbm>> -> memref<128xi32, #tpu.memory_space<hbm>>
      %dma_wait3A_464 = arith.constant 0 : i32
      %dma_wait3A_465 = tpu.memref_slice %arg2[%dma_wait3A_460, %dma_wait3A_464] : memref<2x320000xi32, #tpu.memory_space<hbm>> -> memref<1x128xi32, #tpu.memory_space<hbm>>
      %dma_wait3A_466 = tpu.memref_squeeze %dma_wait3A_465 : memref<1x128xi32, #tpu.memory_space<hbm>> -> memref<128xi32, #tpu.memory_space<hbm>>
      tpu.wait_dma2 semaphore(%arg25 : memref<!tpu.dma_semaphore, #tpu.memory_space<semaphore_mem>>) src(%dma_wait3A_466 : memref<128xi32, #tpu.memory_space<hbm>>) dst(%arg8 : memref<128xi32, #tpu.memory_space<vmem>>)
      %dma_wait3A_467 = arith.constant 0 : i32
      %dma_wait3A_468 = arith.constant 0 : i32
      %dma_wait3A_469 = tpu.memref_slice %arg2[%dma_wait3A_467, %dma_wait3A_468] : memref<2x320000xi32, #tpu.memory_space<hbm>> -> memref<1x128xi32, #tpu.memory_space<hbm>>
      %dma_wait3A_470 = tpu.memref_squeeze %dma_wait3A_469 : memref<1x128xi32, #tpu.memory_space<hbm>> -> memref<128xi32, #tpu.memory_space<hbm>>
      %dma_wait3A_471 = arith.constant 0 : i32
      %dma_wait3A_472 = tpu.memref_slice %arg2[%dma_wait3A_467, %dma_wait3A_471] : memref<2x320000xi32, #tpu.memory_space<hbm>> -> memref<1x128xi32, #tpu.memory_space<hbm>>
      %dma_wait3A_473 = tpu.memref_squeeze %dma_wait3A_472 : memref<1x128xi32, #tpu.memory_space<hbm>> -> memref<128xi32, #tpu.memory_space<hbm>>
      tpu.wait_dma2 semaphore(%arg25 : memref<!tpu.dma_semaphore, #tpu.memory_space<semaphore_mem>>) src(%dma_wait3A_473 : memref<128xi32, #tpu.memory_space<hbm>>) dst(%arg12 : memref<128xi32, #tpu.memory_space<vmem>>)
      %dma_start3A_474 = arith.constant 0 : i32
      %dma_start3A_475 = arith.constant 0 : i32
      %dma_start3A_476 = tpu.memref_slice %arg3[%dma_start3A_474, %dma_start3A_475] : memref<10000x128xf32, #tpu.memory_space<hbm>> -> memref<10000x128xf32, #tpu.memory_space<hbm>>
      tpu.enqueue_indirect_dma source(%dma_start3A_476 : memref<10000x128xf32, #tpu.memory_space<hbm>>) target(%arg16 : memref<128x128xf32, #tpu.memory_space<vmem>>) offsets(%arg8 : memref<128xi32, #tpu.memory_space<vmem>>) semaphore(%arg21 : memref<!tpu.dma_semaphore, #tpu.memory_space<semaphore_mem>>)
      %dma_wait3A_477 = arith.constant 0 : i32
      %dma_wait3A_478 = arith.constant 0 : i32
      %dma_wait3A_479 = tpu.memref_slice %arg3[%dma_wait3A_477, %dma_wait3A_478] : memref<10000x128xf32, #tpu.memory_space<hbm>> -> memref<128x128xf32, #tpu.memory_space<hbm>>
      %dma_wait3A_480 = arith.constant 0 : i32
      %dma_wait3A_481 = arith.constant 0 : i32
      %dma_wait3A_482 = tpu.memref_slice %arg3[%dma_wait3A_480, %dma_wait3A_481] : memref<10000x128xf32, #tpu.memory_space<hbm>> -> memref<128x128xf32, #tpu.memory_space<hbm>>
      tpu.wait_dma2 semaphore(%arg22 : memref<!tpu.dma_semaphore, #tpu.memory_space<semaphore_mem>>) src(%dma_wait3A_482 : memref<128x128xf32, #tpu.memory_space<hbm>>) dst(%arg17 : memref<128x128xf32, #tpu.memory_space<vmem>>)
      %dma_start3A_483 = arith.constant 0 : i32
      %dma_start3A_484 = arith.constant 0 : i32
      %dma_start3A_485 = tpu.memref_slice %arg19[%dma_start3A_483, %dma_start3A_484] : memref<10000x128xf32, #tpu.memory_space<vmem_shared>> -> memref<10000x128xf32, #tpu.memory_space<vmem_shared>>
      tpu.enqueue_indirect_dma source(%arg17 : memref<128x128xf32, #tpu.memory_space<vmem>>) target(%dma_start3A_485 : memref<10000x128xf32, #tpu.memory_space<vmem_shared>>) offsets(%arg15 : memref<128xi32, #tpu.memory_space<vmem>>) semaphore(%arg24 : memref<!tpu.dma_semaphore, #tpu.memory_space<semaphore_mem>>) {add = true}
      %dma_start3A_486 = arith.constant 0 : i32
      %dma_start3A_487 = tpu.memref_slice %arg20[%dma_start3A_486] : memref<10240xf32, #tpu.memory_space<vmem_shared>> -> memref<10240xf32, #tpu.memory_space<vmem_shared>>
      tpu.enqueue_indirect_dma source(%arg18 : memref<128xf32, #tpu.memory_space<vmem>>) target(%dma_start3A_487 : memref<10240xf32, #tpu.memory_space<vmem_shared>>) offsets(%arg15 : memref<128xi32, #tpu.memory_space<vmem>>) semaphore(%arg24 : memref<!tpu.dma_semaphore, #tpu.memory_space<semaphore_mem>>) {add = true}
      %add3A_488 = arith.addi %mul3A_2, %add3A_449 : i32
      %add3A_489 = arith.constant 3 : i32
      %add3A_490 = arith.addi %add3A_488, %add3A_489 : i32
      %mul3A_491 = arith.constant 128 : i32
      %mul3A_492 = arith.muli %add3A_490, %mul3A_491 : i32
      %multiple_of3A_493 = tpu.assume_multiple %mul3A_492, 128 : i32
      %dma_start3A_494 = arith.constant 0 : i32
      %dma_start3A_495 = tpu.memref_slice %arg2[%dma_start3A_494, %multiple_of3A_493] : memref<2x320000xi32, #tpu.memory_space<hbm>> -> memref<1x128xi32, #tpu.memory_space<hbm>>
      %dma_start3A_496 = tpu.memref_squeeze %dma_start3A_495 : memref<1x128xi32, #tpu.memory_space<hbm>> -> memref<128xi32, #tpu.memory_space<hbm>>
      %dma_start3A_497 = tpu.memref_slice %arg2[%dma_start3A_494, %multiple_of3A_493] : memref<2x320000xi32, #tpu.memory_space<hbm>> -> memref<1x128xi32, #tpu.memory_space<hbm>>
      %dma_start3A_498 = tpu.memref_squeeze %dma_start3A_497 : memref<1x128xi32, #tpu.memory_space<hbm>> -> memref<128xi32, #tpu.memory_space<hbm>>
      tpu.enqueue_dma source(%dma_start3A_498 : memref<128xi32, #tpu.memory_space<hbm>>) target(%arg10 : memref<128xi32, #tpu.memory_space<vmem>>) target_semaphore(%arg27 : memref<!tpu.dma_semaphore, #tpu.memory_space<semaphore_mem>>)
      %dma_start3A_499 = arith.constant 1 : i32
      %dma_start3A_500 = tpu.memref_slice %arg2[%dma_start3A_499, %multiple_of3A_493] : memref<2x320000xi32, #tpu.memory_space<hbm>> -> memref<1x128xi32, #tpu.memory_space<hbm>>
      %dma_start3A_501 = tpu.memref_squeeze %dma_start3A_500 : memref<1x128xi32, #tpu.memory_space<hbm>> -> memref<128xi32, #tpu.memory_space<hbm>>
      %dma_start3A_502 = tpu.memref_slice %arg2[%dma_start3A_499, %multiple_of3A_493] : memref<2x320000xi32, #tpu.memory_space<hbm>> -> memref<1x128xi32, #tpu.memory_space<hbm>>
      %dma_start3A_503 = tpu.memref_squeeze %dma_start3A_502 : memref<1x128xi32, #tpu.memory_space<hbm>> -> memref<128xi32, #tpu.memory_space<hbm>>
      tpu.enqueue_dma source(%dma_start3A_503 : memref<128xi32, #tpu.memory_space<hbm>>) target(%arg14 : memref<128xi32, #tpu.memory_space<vmem>>) target_semaphore(%arg27 : memref<!tpu.dma_semaphore, #tpu.memory_space<semaphore_mem>>)
      %add3A_504 = arith.constant 2 : i32
      %add3A_505 = arith.addi %add3A_393, %add3A_504 : i32
      %dma_wait3A_506 = arith.constant 0 : i32
      %dma_wait3A_507 = arith.constant 0 : i32
      %dma_wait3A_508 = tpu.memref_slice %arg3[%dma_wait3A_506, %dma_wait3A_507] : memref<10000x128xf32, #tpu.memory_space<hbm>> -> memref<128x128xf32, #tpu.memory_space<hbm>>
      %dma_wait3A_509 = arith.constant 0 : i32
      %dma_wait3A_510 = arith.constant 0 : i32
      %dma_wait3A_511 = tpu.memref_slice %arg3[%dma_wait3A_509, %dma_wait3A_510] : memref<10000x128xf32, #tpu.memory_space<hbm>> -> memref<128x128xf32, #tpu.memory_space<hbm>>
      tpu.wait_dma2 semaphore(%arg24 : memref<!tpu.dma_semaphore, #tpu.memory_space<semaphore_mem>>) src(%dma_wait3A_511 : memref<128x128xf32, #tpu.memory_space<hbm>>) dst(%arg17 : memref<128x128xf32, #tpu.memory_space<vmem>>)
      %dma_wait3A_512 = arith.constant 0 : i32
      %dma_wait3A_513 = tpu.memref_slice %arg5[%dma_wait3A_512] : memref<10240xf32, #tpu.memory_space<hbm>> -> memref<128xf32, #tpu.memory_space<hbm>>
      %dma_wait3A_514 = arith.constant 0 : i32
      %dma_wait3A_515 = tpu.memref_slice %arg5[%dma_wait3A_514] : memref<10240xf32, #tpu.memory_space<hbm>> -> memref<128xf32, #tpu.memory_space<hbm>>
      tpu.wait_dma2 semaphore(%arg24 : memref<!tpu.dma_semaphore, #tpu.memory_space<semaphore_mem>>) src(%dma_wait3A_515 : memref<128xf32, #tpu.memory_space<hbm>>) dst(%arg18 : memref<128xf32, #tpu.memory_space<vmem>>)
      %dma_wait3A_516 = arith.constant 0 : i32
      %dma_wait3A_517 = arith.constant 0 : i32
      %dma_wait3A_518 = tpu.memref_slice %arg2[%dma_wait3A_516, %dma_wait3A_517] : memref<2x320000xi32, #tpu.memory_space<hbm>> -> memref<1x128xi32, #tpu.memory_space<hbm>>
      %dma_wait3A_519 = tpu.memref_squeeze %dma_wait3A_518 : memref<1x128xi32, #tpu.memory_space<hbm>> -> memref<128xi32, #tpu.memory_space<hbm>>
      %dma_wait3A_520 = arith.constant 0 : i32
      %dma_wait3A_521 = tpu.memref_slice %arg2[%dma_wait3A_516, %dma_wait3A_520] : memref<2x320000xi32, #tpu.memory_space<hbm>> -> memref<1x128xi32, #tpu.memory_space<hbm>>
      %dma_wait3A_522 = tpu.memref_squeeze %dma_wait3A_521 : memref<1x128xi32, #tpu.memory_space<hbm>> -> memref<128xi32, #tpu.memory_space<hbm>>
      tpu.wait_dma2 semaphore(%arg26 : memref<!tpu.dma_semaphore, #tpu.memory_space<semaphore_mem>>) src(%dma_wait3A_522 : memref<128xi32, #tpu.memory_space<hbm>>) dst(%arg9 : memref<128xi32, #tpu.memory_space<vmem>>)
      %dma_wait3A_523 = arith.constant 0 : i32
      %dma_wait3A_524 = arith.constant 0 : i32
      %dma_wait3A_525 = tpu.memref_slice %arg2[%dma_wait3A_523, %dma_wait3A_524] : memref<2x320000xi32, #tpu.memory_space<hbm>> -> memref<1x128xi32, #tpu.memory_space<hbm>>
      %dma_wait3A_526 = tpu.memref_squeeze %dma_wait3A_525 : memref<1x128xi32, #tpu.memory_space<hbm>> -> memref<128xi32, #tpu.memory_space<hbm>>
      %dma_wait3A_527 = arith.constant 0 : i32
      %dma_wait3A_528 = tpu.memref_slice %arg2[%dma_wait3A_523, %dma_wait3A_527] : memref<2x320000xi32, #tpu.memory_space<hbm>> -> memref<1x128xi32, #tpu.memory_space<hbm>>
      %dma_wait3A_529 = tpu.memref_squeeze %dma_wait3A_528 : memref<1x128xi32, #tpu.memory_space<hbm>> -> memref<128xi32, #tpu.memory_space<hbm>>
      tpu.wait_dma2 semaphore(%arg26 : memref<!tpu.dma_semaphore, #tpu.memory_space<semaphore_mem>>) src(%dma_wait3A_529 : memref<128xi32, #tpu.memory_space<hbm>>) dst(%arg13 : memref<128xi32, #tpu.memory_space<vmem>>)
      %dma_start3A_530 = arith.constant 0 : i32
      %dma_start3A_531 = arith.constant 0 : i32
      %dma_start3A_532 = tpu.memref_slice %arg3[%dma_start3A_530, %dma_start3A_531] : memref<10000x128xf32, #tpu.memory_space<hbm>> -> memref<10000x128xf32, #tpu.memory_space<hbm>>
      tpu.enqueue_indirect_dma source(%dma_start3A_532 : memref<10000x128xf32, #tpu.memory_space<hbm>>) target(%arg17 : memref<128x128xf32, #tpu.memory_space<vmem>>) offsets(%arg9 : memref<128xi32, #tpu.memory_space<vmem>>) semaphore(%arg22 : memref<!tpu.dma_semaphore, #tpu.memory_space<semaphore_mem>>)
      %dma_wait3A_533 = arith.constant 0 : i32
      %dma_wait3A_534 = arith.constant 0 : i32
      %dma_wait3A_535 = tpu.memref_slice %arg3[%dma_wait3A_533, %dma_wait3A_534] : memref<10000x128xf32, #tpu.memory_space<hbm>> -> memref<128x128xf32, #tpu.memory_space<hbm>>
      %dma_wait3A_536 = arith.constant 0 : i32
      %dma_wait3A_537 = arith.constant 0 : i32
      %dma_wait3A_538 = tpu.memref_slice %arg3[%dma_wait3A_536, %dma_wait3A_537] : memref<10000x128xf32, #tpu.memory_space<hbm>> -> memref<128x128xf32, #tpu.memory_space<hbm>>
      tpu.wait_dma2 semaphore(%arg21 : memref<!tpu.dma_semaphore, #tpu.memory_space<semaphore_mem>>) src(%dma_wait3A_538 : memref<128x128xf32, #tpu.memory_space<hbm>>) dst(%arg16 : memref<128x128xf32, #tpu.memory_space<vmem>>)
      %dma_start3A_539 = arith.constant 0 : i32
      %dma_start3A_540 = arith.constant 0 : i32
      %dma_start3A_541 = tpu.memref_slice %arg19[%dma_start3A_539, %dma_start3A_540] : memref<10000x128xf32, #tpu.memory_space<vmem_shared>> -> memref<10000x128xf32, #tpu.memory_space<vmem_shared>>
      tpu.enqueue_indirect_dma source(%arg16 : memref<128x128xf32, #tpu.memory_space<vmem>>) target(%dma_start3A_541 : memref<10000x128xf32, #tpu.memory_space<vmem_shared>>) offsets(%arg12 : memref<128xi32, #tpu.memory_space<vmem>>) semaphore(%arg23 : memref<!tpu.dma_semaphore, #tpu.memory_space<semaphore_mem>>) {add = true}
      %dma_start3A_542 = arith.constant 0 : i32
      %dma_start3A_543 = tpu.memref_slice %arg20[%dma_start3A_542] : memref<10240xf32, #tpu.memory_space<vmem_shared>> -> memref<10240xf32, #tpu.memory_space<vmem_shared>>
      tpu.enqueue_indirect_dma source(%arg18 : memref<128xf32, #tpu.memory_space<vmem>>) target(%dma_start3A_543 : memref<10240xf32, #tpu.memory_space<vmem_shared>>) offsets(%arg12 : memref<128xi32, #tpu.memory_space<vmem>>) semaphore(%arg23 : memref<!tpu.dma_semaphore, #tpu.memory_space<semaphore_mem>>) {add = true}
      %add3A_544 = arith.addi %mul3A_2, %add3A_505 : i32
      %add3A_545 = arith.constant 3 : i32
      %add3A_546 = arith.addi %add3A_544, %add3A_545 : i32
      %mul3A_547 = arith.constant 128 : i32
      %mul3A_548 = arith.muli %add3A_546, %mul3A_547 : i32
      %multiple_of3A_549 = tpu.assume_multiple %mul3A_548, 128 : i32
      %dma_start3A_550 = arith.constant 0 : i32
      %dma_start3A_551 = tpu.memref_slice %arg2[%dma_start3A_550, %multiple_of3A_549] : memref<2x320000xi32, #tpu.memory_space<hbm>> -> memref<1x128xi32, #tpu.memory_space<hbm>>
      %dma_start3A_552 = tpu.memref_squeeze %dma_start3A_551 : memref<1x128xi32, #tpu.memory_space<hbm>> -> memref<128xi32, #tpu.memory_space<hbm>>
      %dma_start3A_553 = tpu.memref_slice %arg2[%dma_start3A_550, %multiple_of3A_549] : memref<2x320000xi32, #tpu.memory_space<hbm>> -> memref<1x128xi32, #tpu.memory_space<hbm>>
      %dma_start3A_554 = tpu.memref_squeeze %dma_start3A_553 : memref<1x128xi32, #tpu.memory_space<hbm>> -> memref<128xi32, #tpu.memory_space<hbm>>
      tpu.enqueue_dma source(%dma_start3A_554 : memref<128xi32, #tpu.memory_space<hbm>>) target(%arg11 : memref<128xi32, #tpu.memory_space<vmem>>) target_semaphore(%arg28 : memref<!tpu.dma_semaphore, #tpu.memory_space<semaphore_mem>>)
      %dma_start3A_555 = arith.constant 1 : i32
      %dma_start3A_556 = tpu.memref_slice %arg2[%dma_start3A_555, %multiple_of3A_549] : memref<2x320000xi32, #tpu.memory_space<hbm>> -> memref<1x128xi32, #tpu.memory_space<hbm>>
      %dma_start3A_557 = tpu.memref_squeeze %dma_start3A_556 : memref<1x128xi32, #tpu.memory_space<hbm>> -> memref<128xi32, #tpu.memory_space<hbm>>
      %dma_start3A_558 = tpu.memref_slice %arg2[%dma_start3A_555, %multiple_of3A_549] : memref<2x320000xi32, #tpu.memory_space<hbm>> -> memref<1x128xi32, #tpu.memory_space<hbm>>
      %dma_start3A_559 = tpu.memref_squeeze %dma_start3A_558 : memref<1x128xi32, #tpu.memory_space<hbm>> -> memref<128xi32, #tpu.memory_space<hbm>>
      tpu.enqueue_dma source(%dma_start3A_559 : memref<128xi32, #tpu.memory_space<hbm>>) target(%arg15 : memref<128xi32, #tpu.memory_space<vmem>>) target_semaphore(%arg28 : memref<!tpu.dma_semaphore, #tpu.memory_space<semaphore_mem>>)
      %add3A_560 = arith.constant 3 : i32
      %add3A_561 = arith.addi %add3A_393, %add3A_560 : i32
      %dma_wait3A_562 = arith.constant 0 : i32
      %dma_wait3A_563 = arith.constant 0 : i32
      %dma_wait3A_564 = tpu.memref_slice %arg3[%dma_wait3A_562, %dma_wait3A_563] : memref<10000x128xf32, #tpu.memory_space<hbm>> -> memref<128x128xf32, #tpu.memory_space<hbm>>
      %dma_wait3A_565 = arith.constant 0 : i32
      %dma_wait3A_566 = arith.constant 0 : i32
      %dma_wait3A_567 = tpu.memref_slice %arg3[%dma_wait3A_565, %dma_wait3A_566] : memref<10000x128xf32, #tpu.memory_space<hbm>> -> memref<128x128xf32, #tpu.memory_space<hbm>>
      tpu.wait_dma2 semaphore(%arg23 : memref<!tpu.dma_semaphore, #tpu.memory_space<semaphore_mem>>) src(%dma_wait3A_567 : memref<128x128xf32, #tpu.memory_space<hbm>>) dst(%arg16 : memref<128x128xf32, #tpu.memory_space<vmem>>)
      %dma_wait3A_568 = arith.constant 0 : i32
      %dma_wait3A_569 = tpu.memref_slice %arg5[%dma_wait3A_568] : memref<10240xf32, #tpu.memory_space<hbm>> -> memref<128xf32, #tpu.memory_space<hbm>>
      %dma_wait3A_570 = arith.constant 0 : i32
      %dma_wait3A_571 = tpu.memref_slice %arg5[%dma_wait3A_570] : memref<10240xf32, #tpu.memory_space<hbm>> -> memref<128xf32, #tpu.memory_space<hbm>>
      tpu.wait_dma2 semaphore(%arg23 : memref<!tpu.dma_semaphore, #tpu.memory_space<semaphore_mem>>) src(%dma_wait3A_571 : memref<128xf32, #tpu.memory_space<hbm>>) dst(%arg18 : memref<128xf32, #tpu.memory_space<vmem>>)
      %dma_wait3A_572 = arith.constant 0 : i32
      %dma_wait3A_573 = arith.constant 0 : i32
      %dma_wait3A_574 = tpu.memref_slice %arg2[%dma_wait3A_572, %dma_wait3A_573] : memref<2x320000xi32, #tpu.memory_space<hbm>> -> memref<1x128xi32, #tpu.memory_space<hbm>>
      %dma_wait3A_575 = tpu.memref_squeeze %dma_wait3A_574 : memref<1x128xi32, #tpu.memory_space<hbm>> -> memref<128xi32, #tpu.memory_space<hbm>>
      %dma_wait3A_576 = arith.constant 0 : i32
      %dma_wait3A_577 = tpu.memref_slice %arg2[%dma_wait3A_572, %dma_wait3A_576] : memref<2x320000xi32, #tpu.memory_space<hbm>> -> memref<1x128xi32, #tpu.memory_space<hbm>>
      %dma_wait3A_578 = tpu.memref_squeeze %dma_wait3A_577 : memref<1x128xi32, #tpu.memory_space<hbm>> -> memref<128xi32, #tpu.memory_space<hbm>>
      tpu.wait_dma2 semaphore(%arg27 : memref<!tpu.dma_semaphore, #tpu.memory_space<semaphore_mem>>) src(%dma_wait3A_578 : memref<128xi32, #tpu.memory_space<hbm>>) dst(%arg10 : memref<128xi32, #tpu.memory_space<vmem>>)
      %dma_wait3A_579 = arith.constant 0 : i32
      %dma_wait3A_580 = arith.constant 0 : i32
      %dma_wait3A_581 = tpu.memref_slice %arg2[%dma_wait3A_579, %dma_wait3A_580] : memref<2x320000xi32, #tpu.memory_space<hbm>> -> memref<1x128xi32, #tpu.memory_space<hbm>>
      %dma_wait3A_582 = tpu.memref_squeeze %dma_wait3A_581 : memref<1x128xi32, #tpu.memory_space<hbm>> -> memref<128xi32, #tpu.memory_space<hbm>>
      %dma_wait3A_583 = arith.constant 0 : i32
      %dma_wait3A_584 = tpu.memref_slice %arg2[%dma_wait3A_579, %dma_wait3A_583] : memref<2x320000xi32, #tpu.memory_space<hbm>> -> memref<1x128xi32, #tpu.memory_space<hbm>>
      %dma_wait3A_585 = tpu.memref_squeeze %dma_wait3A_584 : memref<1x128xi32, #tpu.memory_space<hbm>> -> memref<128xi32, #tpu.memory_space<hbm>>
      tpu.wait_dma2 semaphore(%arg27 : memref<!tpu.dma_semaphore, #tpu.memory_space<semaphore_mem>>) src(%dma_wait3A_585 : memref<128xi32, #tpu.memory_space<hbm>>) dst(%arg14 : memref<128xi32, #tpu.memory_space<vmem>>)
      %dma_start3A_586 = arith.constant 0 : i32
      %dma_start3A_587 = arith.constant 0 : i32
      %dma_start3A_588 = tpu.memref_slice %arg3[%dma_start3A_586, %dma_start3A_587] : memref<10000x128xf32, #tpu.memory_space<hbm>> -> memref<10000x128xf32, #tpu.memory_space<hbm>>
      tpu.enqueue_indirect_dma source(%dma_start3A_588 : memref<10000x128xf32, #tpu.memory_space<hbm>>) target(%arg16 : memref<128x128xf32, #tpu.memory_space<vmem>>) offsets(%arg10 : memref<128xi32, #tpu.memory_space<vmem>>) semaphore(%arg21 : memref<!tpu.dma_semaphore, #tpu.memory_space<semaphore_mem>>)
      %dma_wait3A_589 = arith.constant 0 : i32
      %dma_wait3A_590 = arith.constant 0 : i32
      %dma_wait3A_591 = tpu.memref_slice %arg3[%dma_wait3A_589, %dma_wait3A_590] : memref<10000x128xf32, #tpu.memory_space<hbm>> -> memref<128x128xf32, #tpu.memory_space<hbm>>
      %dma_wait3A_592 = arith.constant 0 : i32
      %dma_wait3A_593 = arith.constant 0 : i32
      %dma_wait3A_594 = tpu.memref_slice %arg3[%dma_wait3A_592, %dma_wait3A_593] : memref<10000x128xf32, #tpu.memory_space<hbm>> -> memref<128x128xf32, #tpu.memory_space<hbm>>
      tpu.wait_dma2 semaphore(%arg22 : memref<!tpu.dma_semaphore, #tpu.memory_space<semaphore_mem>>) src(%dma_wait3A_594 : memref<128x128xf32, #tpu.memory_space<hbm>>) dst(%arg17 : memref<128x128xf32, #tpu.memory_space<vmem>>)
      %dma_start3A_595 = arith.constant 0 : i32
      %dma_start3A_596 = arith.constant 0 : i32
      %dma_start3A_597 = tpu.memref_slice %arg19[%dma_start3A_595, %dma_start3A_596] : memref<10000x128xf32, #tpu.memory_space<vmem_shared>> -> memref<10000x128xf32, #tpu.memory_space<vmem_shared>>
      tpu.enqueue_indirect_dma source(%arg17 : memref<128x128xf32, #tpu.memory_space<vmem>>) target(%dma_start3A_597 : memref<10000x128xf32, #tpu.memory_space<vmem_shared>>) offsets(%arg13 : memref<128xi32, #tpu.memory_space<vmem>>) semaphore(%arg24 : memref<!tpu.dma_semaphore, #tpu.memory_space<semaphore_mem>>) {add = true}
      %dma_start3A_598 = arith.constant 0 : i32
      %dma_start3A_599 = tpu.memref_slice %arg20[%dma_start3A_598] : memref<10240xf32, #tpu.memory_space<vmem_shared>> -> memref<10240xf32, #tpu.memory_space<vmem_shared>>
      tpu.enqueue_indirect_dma source(%arg18 : memref<128xf32, #tpu.memory_space<vmem>>) target(%dma_start3A_599 : memref<10240xf32, #tpu.memory_space<vmem_shared>>) offsets(%arg13 : memref<128xi32, #tpu.memory_space<vmem>>) semaphore(%arg24 : memref<!tpu.dma_semaphore, #tpu.memory_space<semaphore_mem>>) {add = true}
      %add3A_600 = arith.addi %mul3A_2, %add3A_561 : i32
      %add3A_601 = arith.constant 3 : i32
      %add3A_602 = arith.addi %add3A_600, %add3A_601 : i32
      %mul3A_603 = arith.constant 128 : i32
      %mul3A_604 = arith.muli %add3A_602, %mul3A_603 : i32
      %multiple_of3A_605 = tpu.assume_multiple %mul3A_604, 128 : i32
      %dma_start3A_606 = arith.constant 0 : i32
      %dma_start3A_607 = tpu.memref_slice %arg2[%dma_start3A_606, %multiple_of3A_605] : memref<2x320000xi32, #tpu.memory_space<hbm>> -> memref<1x128xi32, #tpu.memory_space<hbm>>
      %dma_start3A_608 = tpu.memref_squeeze %dma_start3A_607 : memref<1x128xi32, #tpu.memory_space<hbm>> -> memref<128xi32, #tpu.memory_space<hbm>>
      %dma_start3A_609 = tpu.memref_slice %arg2[%dma_start3A_606, %multiple_of3A_605] : memref<2x320000xi32, #tpu.memory_space<hbm>> -> memref<1x128xi32, #tpu.memory_space<hbm>>
      %dma_start3A_610 = tpu.memref_squeeze %dma_start3A_609 : memref<1x128xi32, #tpu.memory_space<hbm>> -> memref<128xi32, #tpu.memory_space<hbm>>
      tpu.enqueue_dma source(%dma_start3A_610 : memref<128xi32, #tpu.memory_space<hbm>>) target(%arg8 : memref<128xi32, #tpu.memory_space<vmem>>) target_semaphore(%arg25 : memref<!tpu.dma_semaphore, #tpu.memory_space<semaphore_mem>>)
      %dma_start3A_611 = arith.constant 1 : i32
      %dma_start3A_612 = tpu.memref_slice %arg2[%dma_start3A_611, %multiple_of3A_605] : memref<2x320000xi32, #tpu.memory_space<hbm>> -> memref<1x128xi32, #tpu.memory_space<hbm>>
      %dma_start3A_613 = tpu.memref_squeeze %dma_start3A_612 : memref<1x128xi32, #tpu.memory_space<hbm>> -> memref<128xi32, #tpu.memory_space<hbm>>
      %dma_start3A_614 = tpu.memref_slice %arg2[%dma_start3A_611, %multiple_of3A_605] : memref<2x320000xi32, #tpu.memory_space<hbm>> -> memref<1x128xi32, #tpu.memory_space<hbm>>
      %dma_start3A_615 = tpu.memref_squeeze %dma_start3A_614 : memref<1x128xi32, #tpu.memory_space<hbm>> -> memref<128xi32, #tpu.memory_space<hbm>>
      tpu.enqueue_dma source(%dma_start3A_615 : memref<128xi32, #tpu.memory_space<hbm>>) target(%arg12 : memref<128xi32, #tpu.memory_space<vmem>>) target_semaphore(%arg25 : memref<!tpu.dma_semaphore, #tpu.memory_space<semaphore_mem>>)
    }
    %scan3A_216 = arith.constant 18 : i32
    %dma_wait3A_217 = arith.constant 0 : i32
    %dma_wait3A_218 = arith.constant 0 : i32
    %dma_wait3A_219 = tpu.memref_slice %arg3[%dma_wait3A_217, %dma_wait3A_218] : memref<10000x128xf32, #tpu.memory_space<hbm>> -> memref<128x128xf32, #tpu.memory_space<hbm>>
    %dma_wait3A_220 = arith.constant 0 : i32
    %dma_wait3A_221 = arith.constant 0 : i32
    %dma_wait3A_222 = tpu.memref_slice %arg3[%dma_wait3A_220, %dma_wait3A_221] : memref<10000x128xf32, #tpu.memory_space<hbm>> -> memref<128x128xf32, #tpu.memory_space<hbm>>
    tpu.wait_dma2 semaphore(%arg24 : memref<!tpu.dma_semaphore, #tpu.memory_space<semaphore_mem>>) src(%dma_wait3A_222 : memref<128x128xf32, #tpu.memory_space<hbm>>) dst(%arg17 : memref<128x128xf32, #tpu.memory_space<vmem>>)
    %dma_wait3A_223 = arith.constant 0 : i32
    %dma_wait3A_224 = tpu.memref_slice %arg5[%dma_wait3A_223] : memref<10240xf32, #tpu.memory_space<hbm>> -> memref<128xf32, #tpu.memory_space<hbm>>
    %dma_wait3A_225 = arith.constant 0 : i32
    %dma_wait3A_226 = tpu.memref_slice %arg5[%dma_wait3A_225] : memref<10240xf32, #tpu.memory_space<hbm>> -> memref<128xf32, #tpu.memory_space<hbm>>
    tpu.wait_dma2 semaphore(%arg24 : memref<!tpu.dma_semaphore, #tpu.memory_space<semaphore_mem>>) src(%dma_wait3A_226 : memref<128xf32, #tpu.memory_space<hbm>>) dst(%arg18 : memref<128xf32, #tpu.memory_space<vmem>>)
    %dma_wait3A_227 = arith.constant 0 : i32
    %dma_wait3A_228 = arith.constant 0 : i32
    %dma_wait3A_229 = tpu.memref_slice %arg2[%dma_wait3A_227, %dma_wait3A_228] : memref<2x320000xi32, #tpu.memory_space<hbm>> -> memref<1x128xi32, #tpu.memory_space<hbm>>
    %dma_wait3A_230 = tpu.memref_squeeze %dma_wait3A_229 : memref<1x128xi32, #tpu.memory_space<hbm>> -> memref<128xi32, #tpu.memory_space<hbm>>
    %dma_wait3A_231 = arith.constant 0 : i32
    %dma_wait3A_232 = tpu.memref_slice %arg2[%dma_wait3A_227, %dma_wait3A_231] : memref<2x320000xi32, #tpu.memory_space<hbm>> -> memref<1x128xi32, #tpu.memory_space<hbm>>
    %dma_wait3A_233 = tpu.memref_squeeze %dma_wait3A_232 : memref<1x128xi32, #tpu.memory_space<hbm>> -> memref<128xi32, #tpu.memory_space<hbm>>
    tpu.wait_dma2 semaphore(%arg28 : memref<!tpu.dma_semaphore, #tpu.memory_space<semaphore_mem>>) src(%dma_wait3A_233 : memref<128xi32, #tpu.memory_space<hbm>>) dst(%arg11 : memref<128xi32, #tpu.memory_space<vmem>>)
    %dma_wait3A_234 = arith.constant 0 : i32
    %dma_wait3A_235 = arith.constant 0 : i32
    %dma_wait3A_236 = tpu.memref_slice %arg2[%dma_wait3A_234, %dma_wait3A_235] : memref<2x320000xi32, #tpu.memory_space<hbm>> -> memref<1x128xi32, #tpu.memory_space<hbm>>
    %dma_wait3A_237 = tpu.memref_squeeze %dma_wait3A_236 : memref<1x128xi32, #tpu.memory_space<hbm>> -> memref<128xi32, #tpu.memory_space<hbm>>
    %dma_wait3A_238 = arith.constant 0 : i32
    %dma_wait3A_239 = tpu.memref_slice %arg2[%dma_wait3A_234, %dma_wait3A_238] : memref<2x320000xi32, #tpu.memory_space<hbm>> -> memref<1x128xi32, #tpu.memory_space<hbm>>
    %dma_wait3A_240 = tpu.memref_squeeze %dma_wait3A_239 : memref<1x128xi32, #tpu.memory_space<hbm>> -> memref<128xi32, #tpu.memory_space<hbm>>
    tpu.wait_dma2 semaphore(%arg28 : memref<!tpu.dma_semaphore, #tpu.memory_space<semaphore_mem>>) src(%dma_wait3A_240 : memref<128xi32, #tpu.memory_space<hbm>>) dst(%arg15 : memref<128xi32, #tpu.memory_space<vmem>>)
    %dma_start3A_241 = arith.constant 0 : i32
    %dma_start3A_242 = arith.constant 0 : i32
    %dma_start3A_243 = tpu.memref_slice %arg3[%dma_start3A_241, %dma_start3A_242] : memref<10000x128xf32, #tpu.memory_space<hbm>> -> memref<10000x128xf32, #tpu.memory_space<hbm>>
    tpu.enqueue_indirect_dma source(%dma_start3A_243 : memref<10000x128xf32, #tpu.memory_space<hbm>>) target(%arg17 : memref<128x128xf32, #tpu.memory_space<vmem>>) offsets(%arg11 : memref<128xi32, #tpu.memory_space<vmem>>) semaphore(%arg22 : memref<!tpu.dma_semaphore, #tpu.memory_space<semaphore_mem>>)
    %dma_wait3A_244 = arith.constant 0 : i32
    %dma_wait3A_245 = arith.constant 0 : i32
    %dma_wait3A_246 = tpu.memref_slice %arg3[%dma_wait3A_244, %dma_wait3A_245] : memref<10000x128xf32, #tpu.memory_space<hbm>> -> memref<128x128xf32, #tpu.memory_space<hbm>>
    %dma_wait3A_247 = arith.constant 0 : i32
    %dma_wait3A_248 = arith.constant 0 : i32
    %dma_wait3A_249 = tpu.memref_slice %arg3[%dma_wait3A_247, %dma_wait3A_248] : memref<10000x128xf32, #tpu.memory_space<hbm>> -> memref<128x128xf32, #tpu.memory_space<hbm>>
    tpu.wait_dma2 semaphore(%arg21 : memref<!tpu.dma_semaphore, #tpu.memory_space<semaphore_mem>>) src(%dma_wait3A_249 : memref<128x128xf32, #tpu.memory_space<hbm>>) dst(%arg16 : memref<128x128xf32, #tpu.memory_space<vmem>>)
    %dma_start3A_250 = arith.constant 0 : i32
    %dma_start3A_251 = arith.constant 0 : i32
    %dma_start3A_252 = tpu.memref_slice %arg19[%dma_start3A_250, %dma_start3A_251] : memref<10000x128xf32, #tpu.memory_space<vmem_shared>> -> memref<10000x128xf32, #tpu.memory_space<vmem_shared>>
    tpu.enqueue_indirect_dma source(%arg16 : memref<128x128xf32, #tpu.memory_space<vmem>>) target(%dma_start3A_252 : memref<10000x128xf32, #tpu.memory_space<vmem_shared>>) offsets(%arg14 : memref<128xi32, #tpu.memory_space<vmem>>) semaphore(%arg23 : memref<!tpu.dma_semaphore, #tpu.memory_space<semaphore_mem>>) {add = true}
    %dma_start3A_253 = arith.constant 0 : i32
    %dma_start3A_254 = tpu.memref_slice %arg20[%dma_start3A_253] : memref<10240xf32, #tpu.memory_space<vmem_shared>> -> memref<10240xf32, #tpu.memory_space<vmem_shared>>
    tpu.enqueue_indirect_dma source(%arg18 : memref<128xf32, #tpu.memory_space<vmem>>) target(%dma_start3A_254 : memref<10240xf32, #tpu.memory_space<vmem_shared>>) offsets(%arg14 : memref<128xi32, #tpu.memory_space<vmem>>) semaphore(%arg23 : memref<!tpu.dma_semaphore, #tpu.memory_space<semaphore_mem>>) {add = true}
    %add3A_255 = arith.constant 74 : i32
    %add3A_256 = arith.addi %mul3A_2, %add3A_255 : i32
    %add3A_257 = arith.constant 3 : i32
    %add3A_258 = arith.addi %add3A_256, %add3A_257 : i32
    %mul3A_259 = arith.constant 128 : i32
    %mul3A_260 = arith.muli %add3A_258, %mul3A_259 : i32
    %multiple_of3A_261 = tpu.assume_multiple %mul3A_260, 128 : i32
    %dma_start3A_262 = arith.constant 0 : i32
    %dma_start3A_263 = tpu.memref_slice %arg2[%dma_start3A_262, %multiple_of3A_261] : memref<2x320000xi32, #tpu.memory_space<hbm>> -> memref<1x128xi32, #tpu.memory_space<hbm>>
    %dma_start3A_264 = tpu.memref_squeeze %dma_start3A_263 : memref<1x128xi32, #tpu.memory_space<hbm>> -> memref<128xi32, #tpu.memory_space<hbm>>
    %dma_start3A_265 = tpu.memref_slice %arg2[%dma_start3A_262, %multiple_of3A_261] : memref<2x320000xi32, #tpu.memory_space<hbm>> -> memref<1x128xi32, #tpu.memory_space<hbm>>
    %dma_start3A_266 = tpu.memref_squeeze %dma_start3A_265 : memref<1x128xi32, #tpu.memory_space<hbm>> -> memref<128xi32, #tpu.memory_space<hbm>>
    tpu.enqueue_dma source(%dma_start3A_266 : memref<128xi32, #tpu.memory_space<hbm>>) target(%arg9 : memref<128xi32, #tpu.memory_space<vmem>>) target_semaphore(%arg26 : memref<!tpu.dma_semaphore, #tpu.memory_space<semaphore_mem>>)
    %dma_start3A_267 = arith.constant 1 : i32
    %dma_start3A_268 = tpu.memref_slice %arg2[%dma_start3A_267, %multiple_of3A_261] : memref<2x320000xi32, #tpu.memory_space<hbm>> -> memref<1x128xi32, #tpu.memory_space<hbm>>
    %dma_start3A_269 = tpu.memref_squeeze %dma_start3A_268 : memref<1x128xi32, #tpu.memory_space<hbm>> -> memref<128xi32, #tpu.memory_space<hbm>>
    %dma_start3A_270 = tpu.memref_slice %arg2[%dma_start3A_267, %multiple_of3A_261] : memref<2x320000xi32, #tpu.memory_space<hbm>> -> memref<1x128xi32, #tpu.memory_space<hbm>>
    %dma_start3A_271 = tpu.memref_squeeze %dma_start3A_270 : memref<1x128xi32, #tpu.memory_space<hbm>> -> memref<128xi32, #tpu.memory_space<hbm>>
    tpu.enqueue_dma source(%dma_start3A_271 : memref<128xi32, #tpu.memory_space<hbm>>) target(%arg13 : memref<128xi32, #tpu.memory_space<vmem>>) target_semaphore(%arg26 : memref<!tpu.dma_semaphore, #tpu.memory_space<semaphore_mem>>)
    %dma_wait3A_272 = arith.constant 0 : i32
    %dma_wait3A_273 = arith.constant 0 : i32
    %dma_wait3A_274 = tpu.memref_slice %arg3[%dma_wait3A_272, %dma_wait3A_273] : memref<10000x128xf32, #tpu.memory_space<hbm>> -> memref<128x128xf32, #tpu.memory_space<hbm>>
    %dma_wait3A_275 = arith.constant 0 : i32
    %dma_wait3A_276 = arith.constant 0 : i32
    %dma_wait3A_277 = tpu.memref_slice %arg3[%dma_wait3A_275, %dma_wait3A_276] : memref<10000x128xf32, #tpu.memory_space<hbm>> -> memref<128x128xf32, #tpu.memory_space<hbm>>
    tpu.wait_dma2 semaphore(%arg23 : memref<!tpu.dma_semaphore, #tpu.memory_space<semaphore_mem>>) src(%dma_wait3A_277 : memref<128x128xf32, #tpu.memory_space<hbm>>) dst(%arg16 : memref<128x128xf32, #tpu.memory_space<vmem>>)
    %dma_wait3A_278 = arith.constant 0 : i32
    %dma_wait3A_279 = tpu.memref_slice %arg5[%dma_wait3A_278] : memref<10240xf32, #tpu.memory_space<hbm>> -> memref<128xf32, #tpu.memory_space<hbm>>
    %dma_wait3A_280 = arith.constant 0 : i32
    %dma_wait3A_281 = tpu.memref_slice %arg5[%dma_wait3A_280] : memref<10240xf32, #tpu.memory_space<hbm>> -> memref<128xf32, #tpu.memory_space<hbm>>
    tpu.wait_dma2 semaphore(%arg23 : memref<!tpu.dma_semaphore, #tpu.memory_space<semaphore_mem>>) src(%dma_wait3A_281 : memref<128xf32, #tpu.memory_space<hbm>>) dst(%arg18 : memref<128xf32, #tpu.memory_space<vmem>>)
    %dma_wait3A_282 = arith.constant 0 : i32
    %dma_wait3A_283 = arith.constant 0 : i32
    %dma_wait3A_284 = tpu.memref_slice %arg2[%dma_wait3A_282, %dma_wait3A_283] : memref<2x320000xi32, #tpu.memory_space<hbm>> -> memref<1x128xi32, #tpu.memory_space<hbm>>
    %dma_wait3A_285 = tpu.memref_squeeze %dma_wait3A_284 : memref<1x128xi32, #tpu.memory_space<hbm>> -> memref<128xi32, #tpu.memory_space<hbm>>
    %dma_wait3A_286 = arith.constant 0 : i32
    %dma_wait3A_287 = tpu.memref_slice %arg2[%dma_wait3A_282, %dma_wait3A_286] : memref<2x320000xi32, #tpu.memory_space<hbm>> -> memref<1x128xi32, #tpu.memory_space<hbm>>
    %dma_wait3A_288 = tpu.memref_squeeze %dma_wait3A_287 : memref<1x128xi32, #tpu.memory_space<hbm>> -> memref<128xi32, #tpu.memory_space<hbm>>
    tpu.wait_dma2 semaphore(%arg25 : memref<!tpu.dma_semaphore, #tpu.memory_space<semaphore_mem>>) src(%dma_wait3A_288 : memref<128xi32, #tpu.memory_space<hbm>>) dst(%arg8 : memref<128xi32, #tpu.memory_space<vmem>>)
    %dma_wait3A_289 = arith.constant 0 : i32
    %dma_wait3A_290 = arith.constant 0 : i32
    %dma_wait3A_291 = tpu.memref_slice %arg2[%dma_wait3A_289, %dma_wait3A_290] : memref<2x320000xi32, #tpu.memory_space<hbm>> -> memref<1x128xi32, #tpu.memory_space<hbm>>
    %dma_wait3A_292 = tpu.memref_squeeze %dma_wait3A_291 : memref<1x128xi32, #tpu.memory_space<hbm>> -> memref<128xi32, #tpu.memory_space<hbm>>
    %dma_wait3A_293 = arith.constant 0 : i32
    %dma_wait3A_294 = tpu.memref_slice %arg2[%dma_wait3A_289, %dma_wait3A_293] : memref<2x320000xi32, #tpu.memory_space<hbm>> -> memref<1x128xi32, #tpu.memory_space<hbm>>
    %dma_wait3A_295 = tpu.memref_squeeze %dma_wait3A_294 : memref<1x128xi32, #tpu.memory_space<hbm>> -> memref<128xi32, #tpu.memory_space<hbm>>
    tpu.wait_dma2 semaphore(%arg25 : memref<!tpu.dma_semaphore, #tpu.memory_space<semaphore_mem>>) src(%dma_wait3A_295 : memref<128xi32, #tpu.memory_space<hbm>>) dst(%arg12 : memref<128xi32, #tpu.memory_space<vmem>>)
    %dma_start3A_296 = arith.constant 0 : i32
    %dma_start3A_297 = arith.constant 0 : i32
    %dma_start3A_298 = tpu.memref_slice %arg3[%dma_start3A_296, %dma_start3A_297] : memref<10000x128xf32, #tpu.memory_space<hbm>> -> memref<10000x128xf32, #tpu.memory_space<hbm>>
    tpu.enqueue_indirect_dma source(%dma_start3A_298 : memref<10000x128xf32, #tpu.memory_space<hbm>>) target(%arg16 : memref<128x128xf32, #tpu.memory_space<vmem>>) offsets(%arg8 : memref<128xi32, #tpu.memory_space<vmem>>) semaphore(%arg21 : memref<!tpu.dma_semaphore, #tpu.memory_space<semaphore_mem>>)
    %dma_wait3A_299 = arith.constant 0 : i32
    %dma_wait3A_300 = arith.constant 0 : i32
    %dma_wait3A_301 = tpu.memref_slice %arg3[%dma_wait3A_299, %dma_wait3A_300] : memref<10000x128xf32, #tpu.memory_space<hbm>> -> memref<128x128xf32, #tpu.memory_space<hbm>>
    %dma_wait3A_302 = arith.constant 0 : i32
    %dma_wait3A_303 = arith.constant 0 : i32
    %dma_wait3A_304 = tpu.memref_slice %arg3[%dma_wait3A_302, %dma_wait3A_303] : memref<10000x128xf32, #tpu.memory_space<hbm>> -> memref<128x128xf32, #tpu.memory_space<hbm>>
    tpu.wait_dma2 semaphore(%arg22 : memref<!tpu.dma_semaphore, #tpu.memory_space<semaphore_mem>>) src(%dma_wait3A_304 : memref<128x128xf32, #tpu.memory_space<hbm>>) dst(%arg17 : memref<128x128xf32, #tpu.memory_space<vmem>>)
    %dma_start3A_305 = arith.constant 0 : i32
    %dma_start3A_306 = arith.constant 0 : i32
    %dma_start3A_307 = tpu.memref_slice %arg19[%dma_start3A_305, %dma_start3A_306] : memref<10000x128xf32, #tpu.memory_space<vmem_shared>> -> memref<10000x128xf32, #tpu.memory_space<vmem_shared>>
    tpu.enqueue_indirect_dma source(%arg17 : memref<128x128xf32, #tpu.memory_space<vmem>>) target(%dma_start3A_307 : memref<10000x128xf32, #tpu.memory_space<vmem_shared>>) offsets(%arg15 : memref<128xi32, #tpu.memory_space<vmem>>) semaphore(%arg24 : memref<!tpu.dma_semaphore, #tpu.memory_space<semaphore_mem>>) {add = true}
    %dma_start3A_308 = arith.constant 0 : i32
    %dma_start3A_309 = tpu.memref_slice %arg20[%dma_start3A_308] : memref<10240xf32, #tpu.memory_space<vmem_shared>> -> memref<10240xf32, #tpu.memory_space<vmem_shared>>
    tpu.enqueue_indirect_dma source(%arg18 : memref<128xf32, #tpu.memory_space<vmem>>) target(%dma_start3A_309 : memref<10240xf32, #tpu.memory_space<vmem_shared>>) offsets(%arg15 : memref<128xi32, #tpu.memory_space<vmem>>) semaphore(%arg24 : memref<!tpu.dma_semaphore, #tpu.memory_space<semaphore_mem>>) {add = true}
    %dma_wait3A_310 = arith.constant 0 : i32
    %dma_wait3A_311 = arith.constant 0 : i32
    %dma_wait3A_312 = tpu.memref_slice %arg3[%dma_wait3A_310, %dma_wait3A_311] : memref<10000x128xf32, #tpu.memory_space<hbm>> -> memref<128x128xf32, #tpu.memory_space<hbm>>
    %dma_wait3A_313 = arith.constant 0 : i32
    %dma_wait3A_314 = arith.constant 0 : i32
    %dma_wait3A_315 = tpu.memref_slice %arg3[%dma_wait3A_313, %dma_wait3A_314] : memref<10000x128xf32, #tpu.memory_space<hbm>> -> memref<128x128xf32, #tpu.memory_space<hbm>>
    tpu.wait_dma2 semaphore(%arg24 : memref<!tpu.dma_semaphore, #tpu.memory_space<semaphore_mem>>) src(%dma_wait3A_315 : memref<128x128xf32, #tpu.memory_space<hbm>>) dst(%arg17 : memref<128x128xf32, #tpu.memory_space<vmem>>)
    %dma_wait3A_316 = arith.constant 0 : i32
    %dma_wait3A_317 = tpu.memref_slice %arg5[%dma_wait3A_316] : memref<10240xf32, #tpu.memory_space<hbm>> -> memref<128xf32, #tpu.memory_space<hbm>>
    %dma_wait3A_318 = arith.constant 0 : i32
    %dma_wait3A_319 = tpu.memref_slice %arg5[%dma_wait3A_318] : memref<10240xf32, #tpu.memory_space<hbm>> -> memref<128xf32, #tpu.memory_space<hbm>>
    tpu.wait_dma2 semaphore(%arg24 : memref<!tpu.dma_semaphore, #tpu.memory_space<semaphore_mem>>) src(%dma_wait3A_319 : memref<128xf32, #tpu.memory_space<hbm>>) dst(%arg18 : memref<128xf32, #tpu.memory_space<vmem>>)
    %dma_wait3A_320 = arith.constant 0 : i32
    %dma_wait3A_321 = arith.constant 0 : i32
    %dma_wait3A_322 = tpu.memref_slice %arg2[%dma_wait3A_320, %dma_wait3A_321] : memref<2x320000xi32, #tpu.memory_space<hbm>> -> memref<1x128xi32, #tpu.memory_space<hbm>>
    %dma_wait3A_323 = tpu.memref_squeeze %dma_wait3A_322 : memref<1x128xi32, #tpu.memory_space<hbm>> -> memref<128xi32, #tpu.memory_space<hbm>>
    %dma_wait3A_324 = arith.constant 0 : i32
    %dma_wait3A_325 = tpu.memref_slice %arg2[%dma_wait3A_320, %dma_wait3A_324] : memref<2x320000xi32, #tpu.memory_space<hbm>> -> memref<1x128xi32, #tpu.memory_space<hbm>>
    %dma_wait3A_326 = tpu.memref_squeeze %dma_wait3A_325 : memref<1x128xi32, #tpu.memory_space<hbm>> -> memref<128xi32, #tpu.memory_space<hbm>>
    tpu.wait_dma2 semaphore(%arg26 : memref<!tpu.dma_semaphore, #tpu.memory_space<semaphore_mem>>) src(%dma_wait3A_326 : memref<128xi32, #tpu.memory_space<hbm>>) dst(%arg9 : memref<128xi32, #tpu.memory_space<vmem>>)
    %dma_wait3A_327 = arith.constant 0 : i32
    %dma_wait3A_328 = arith.constant 0 : i32
    %dma_wait3A_329 = tpu.memref_slice %arg2[%dma_wait3A_327, %dma_wait3A_328] : memref<2x320000xi32, #tpu.memory_space<hbm>> -> memref<1x128xi32, #tpu.memory_space<hbm>>
    %dma_wait3A_330 = tpu.memref_squeeze %dma_wait3A_329 : memref<1x128xi32, #tpu.memory_space<hbm>> -> memref<128xi32, #tpu.memory_space<hbm>>
    %dma_wait3A_331 = arith.constant 0 : i32
    %dma_wait3A_332 = tpu.memref_slice %arg2[%dma_wait3A_327, %dma_wait3A_331] : memref<2x320000xi32, #tpu.memory_space<hbm>> -> memref<1x128xi32, #tpu.memory_space<hbm>>
    %dma_wait3A_333 = tpu.memref_squeeze %dma_wait3A_332 : memref<1x128xi32, #tpu.memory_space<hbm>> -> memref<128xi32, #tpu.memory_space<hbm>>
    tpu.wait_dma2 semaphore(%arg26 : memref<!tpu.dma_semaphore, #tpu.memory_space<semaphore_mem>>) src(%dma_wait3A_333 : memref<128xi32, #tpu.memory_space<hbm>>) dst(%arg13 : memref<128xi32, #tpu.memory_space<vmem>>)
    %dma_start3A_334 = arith.constant 0 : i32
    %dma_start3A_335 = arith.constant 0 : i32
    %dma_start3A_336 = tpu.memref_slice %arg3[%dma_start3A_334, %dma_start3A_335] : memref<10000x128xf32, #tpu.memory_space<hbm>> -> memref<10000x128xf32, #tpu.memory_space<hbm>>
    tpu.enqueue_indirect_dma source(%dma_start3A_336 : memref<10000x128xf32, #tpu.memory_space<hbm>>) target(%arg17 : memref<128x128xf32, #tpu.memory_space<vmem>>) offsets(%arg9 : memref<128xi32, #tpu.memory_space<vmem>>) semaphore(%arg22 : memref<!tpu.dma_semaphore, #tpu.memory_space<semaphore_mem>>)
    %dma_wait3A_337 = arith.constant 0 : i32
    %dma_wait3A_338 = arith.constant 0 : i32
    %dma_wait3A_339 = tpu.memref_slice %arg3[%dma_wait3A_337, %dma_wait3A_338] : memref<10000x128xf32, #tpu.memory_space<hbm>> -> memref<128x128xf32, #tpu.memory_space<hbm>>
    %dma_wait3A_340 = arith.constant 0 : i32
    %dma_wait3A_341 = arith.constant 0 : i32
    %dma_wait3A_342 = tpu.memref_slice %arg3[%dma_wait3A_340, %dma_wait3A_341] : memref<10000x128xf32, #tpu.memory_space<hbm>> -> memref<128x128xf32, #tpu.memory_space<hbm>>
    tpu.wait_dma2 semaphore(%arg21 : memref<!tpu.dma_semaphore, #tpu.memory_space<semaphore_mem>>) src(%dma_wait3A_342 : memref<128x128xf32, #tpu.memory_space<hbm>>) dst(%arg16 : memref<128x128xf32, #tpu.memory_space<vmem>>)
    %dma_start3A_343 = arith.constant 0 : i32
    %dma_start3A_344 = arith.constant 0 : i32
    %dma_start3A_345 = tpu.memref_slice %arg19[%dma_start3A_343, %dma_start3A_344] : memref<10000x128xf32, #tpu.memory_space<vmem_shared>> -> memref<10000x128xf32, #tpu.memory_space<vmem_shared>>
    tpu.enqueue_indirect_dma source(%arg16 : memref<128x128xf32, #tpu.memory_space<vmem>>) target(%dma_start3A_345 : memref<10000x128xf32, #tpu.memory_space<vmem_shared>>) offsets(%arg12 : memref<128xi32, #tpu.memory_space<vmem>>) semaphore(%arg23 : memref<!tpu.dma_semaphore, #tpu.memory_space<semaphore_mem>>) {add = true}
    %dma_start3A_346 = arith.constant 0 : i32
    %dma_start3A_347 = tpu.memref_slice %arg20[%dma_start3A_346] : memref<10240xf32, #tpu.memory_space<vmem_shared>> -> memref<10240xf32, #tpu.memory_space<vmem_shared>>
    tpu.enqueue_indirect_dma source(%arg18 : memref<128xf32, #tpu.memory_space<vmem>>) target(%dma_start3A_347 : memref<10240xf32, #tpu.memory_space<vmem_shared>>) offsets(%arg12 : memref<128xi32, #tpu.memory_space<vmem>>) semaphore(%arg23 : memref<!tpu.dma_semaphore, #tpu.memory_space<semaphore_mem>>) {add = true}
    %dma_wait3A_348 = arith.constant 0 : i32
    %dma_wait3A_349 = arith.constant 0 : i32
    %dma_wait3A_350 = tpu.memref_slice %arg3[%dma_wait3A_348, %dma_wait3A_349] : memref<10000x128xf32, #tpu.memory_space<hbm>> -> memref<128x128xf32, #tpu.memory_space<hbm>>
    %dma_wait3A_351 = arith.constant 0 : i32
    %dma_wait3A_352 = arith.constant 0 : i32
    %dma_wait3A_353 = tpu.memref_slice %arg3[%dma_wait3A_351, %dma_wait3A_352] : memref<10000x128xf32, #tpu.memory_space<hbm>> -> memref<128x128xf32, #tpu.memory_space<hbm>>
    tpu.wait_dma2 semaphore(%arg23 : memref<!tpu.dma_semaphore, #tpu.memory_space<semaphore_mem>>) src(%dma_wait3A_353 : memref<128x128xf32, #tpu.memory_space<hbm>>) dst(%arg16 : memref<128x128xf32, #tpu.memory_space<vmem>>)
    %dma_wait3A_354 = arith.constant 0 : i32
    %dma_wait3A_355 = tpu.memref_slice %arg5[%dma_wait3A_354] : memref<10240xf32, #tpu.memory_space<hbm>> -> memref<128xf32, #tpu.memory_space<hbm>>
    %dma_wait3A_356 = arith.constant 0 : i32
    %dma_wait3A_357 = tpu.memref_slice %arg5[%dma_wait3A_356] : memref<10240xf32, #tpu.memory_space<hbm>> -> memref<128xf32, #tpu.memory_space<hbm>>
    tpu.wait_dma2 semaphore(%arg23 : memref<!tpu.dma_semaphore, #tpu.memory_space<semaphore_mem>>) src(%dma_wait3A_357 : memref<128xf32, #tpu.memory_space<hbm>>) dst(%arg18 : memref<128xf32, #tpu.memory_space<vmem>>)
    %dma_wait3A_358 = arith.constant 0 : i32
    %dma_wait3A_359 = arith.constant 0 : i32
    %dma_wait3A_360 = tpu.memref_slice %arg3[%dma_wait3A_358, %dma_wait3A_359] : memref<10000x128xf32, #tpu.memory_space<hbm>> -> memref<128x128xf32, #tpu.memory_space<hbm>>
    %dma_wait3A_361 = arith.constant 0 : i32
    %dma_wait3A_362 = arith.constant 0 : i32
    %dma_wait3A_363 = tpu.memref_slice %arg3[%dma_wait3A_361, %dma_wait3A_362] : memref<10000x128xf32, #tpu.memory_space<hbm>> -> memref<128x128xf32, #tpu.memory_space<hbm>>
    tpu.wait_dma2 semaphore(%arg22 : memref<!tpu.dma_semaphore, #tpu.memory_space<semaphore_mem>>) src(%dma_wait3A_363 : memref<128x128xf32, #tpu.memory_space<hbm>>) dst(%arg17 : memref<128x128xf32, #tpu.memory_space<vmem>>)
    %dma_start3A_364 = arith.constant 0 : i32
    %dma_start3A_365 = arith.constant 0 : i32
    %dma_start3A_366 = tpu.memref_slice %arg19[%dma_start3A_364, %dma_start3A_365] : memref<10000x128xf32, #tpu.memory_space<vmem_shared>> -> memref<10000x128xf32, #tpu.memory_space<vmem_shared>>
    tpu.enqueue_indirect_dma source(%arg17 : memref<128x128xf32, #tpu.memory_space<vmem>>) target(%dma_start3A_366 : memref<10000x128xf32, #tpu.memory_space<vmem_shared>>) offsets(%arg13 : memref<128xi32, #tpu.memory_space<vmem>>) semaphore(%arg24 : memref<!tpu.dma_semaphore, #tpu.memory_space<semaphore_mem>>) {add = true}
    %dma_start3A_367 = arith.constant 0 : i32
    %dma_start3A_368 = tpu.memref_slice %arg20[%dma_start3A_367] : memref<10240xf32, #tpu.memory_space<vmem_shared>> -> memref<10240xf32, #tpu.memory_space<vmem_shared>>
    tpu.enqueue_indirect_dma source(%arg18 : memref<128xf32, #tpu.memory_space<vmem>>) target(%dma_start3A_368 : memref<10240xf32, #tpu.memory_space<vmem_shared>>) offsets(%arg13 : memref<128xi32, #tpu.memory_space<vmem>>) semaphore(%arg24 : memref<!tpu.dma_semaphore, #tpu.memory_space<semaphore_mem>>) {add = true}
    %dma_wait3A_369 = arith.constant 0 : i32
    %dma_wait3A_370 = arith.constant 0 : i32
    %dma_wait3A_371 = tpu.memref_slice %arg3[%dma_wait3A_369, %dma_wait3A_370] : memref<10000x128xf32, #tpu.memory_space<hbm>> -> memref<128x128xf32, #tpu.memory_space<hbm>>
    %dma_wait3A_372 = arith.constant 0 : i32
    %dma_wait3A_373 = arith.constant 0 : i32
    %dma_wait3A_374 = tpu.memref_slice %arg3[%dma_wait3A_372, %dma_wait3A_373] : memref<10000x128xf32, #tpu.memory_space<hbm>> -> memref<128x128xf32, #tpu.memory_space<hbm>>
    tpu.wait_dma2 semaphore(%arg24 : memref<!tpu.dma_semaphore, #tpu.memory_space<semaphore_mem>>) src(%dma_wait3A_374 : memref<128x128xf32, #tpu.memory_space<hbm>>) dst(%arg17 : memref<128x128xf32, #tpu.memory_space<vmem>>)
    %dma_wait3A_375 = arith.constant 0 : i32
    %dma_wait3A_376 = tpu.memref_slice %arg5[%dma_wait3A_375] : memref<10240xf32, #tpu.memory_space<hbm>> -> memref<128xf32, #tpu.memory_space<hbm>>
    %dma_wait3A_377 = arith.constant 0 : i32
    %dma_wait3A_378 = tpu.memref_slice %arg5[%dma_wait3A_377] : memref<10240xf32, #tpu.memory_space<hbm>> -> memref<128xf32, #tpu.memory_space<hbm>>
    tpu.wait_dma2 semaphore(%arg24 : memref<!tpu.dma_semaphore, #tpu.memory_space<semaphore_mem>>) src(%dma_wait3A_378 : memref<128xf32, #tpu.memory_space<hbm>>) dst(%arg18 : memref<128xf32, #tpu.memory_space<vmem>>)
    %lt3A = arith.constant 4 : i32
    %lt3A_379 = arith.cmpi slt, %add3A, %lt3A : i32
    %convert_element_type3A_380 = arith.extui %lt3A_379 : i1 to i32
    %cond3A_381 = arith.constant 0 : i32
    %cond3A_382 = arith.cmpi ne, %convert_element_type3A_380, %cond3A_381 : i32
    scf.if %cond3A_382 {
      %add3A_389 = arith.constant 2496 : i32
      %add3A_390 = arith.addi %add3A_389, %add3A : i32
      %mul3A_391 = arith.constant 128 : i32
      %mul3A_392 = arith.muli %add3A_390, %mul3A_391 : i32
      %multiple_of3A_393 = tpu.assume_multiple %mul3A_392, 128 : i32
      %dma_start3A_394 = arith.constant 0 : i32
      %dma_start3A_395 = tpu.memref_slice %arg2[%dma_start3A_394, %multiple_of3A_393] : memref<2x320000xi32, #tpu.memory_space<hbm>> -> memref<1x128xi32, #tpu.memory_space<hbm>>
      %dma_start3A_396 = tpu.memref_squeeze %dma_start3A_395 : memref<1x128xi32, #tpu.memory_space<hbm>> -> memref<128xi32, #tpu.memory_space<hbm>>
      %dma_start3A_397 = tpu.memref_slice %arg2[%dma_start3A_394, %multiple_of3A_393] : memref<2x320000xi32, #tpu.memory_space<hbm>> -> memref<1x128xi32, #tpu.memory_space<hbm>>
      %dma_start3A_398 = tpu.memref_squeeze %dma_start3A_397 : memref<1x128xi32, #tpu.memory_space<hbm>> -> memref<128xi32, #tpu.memory_space<hbm>>
      tpu.enqueue_dma source(%dma_start3A_398 : memref<128xi32, #tpu.memory_space<hbm>>) target(%arg8 : memref<128xi32, #tpu.memory_space<vmem>>) target_semaphore(%arg25 : memref<!tpu.dma_semaphore, #tpu.memory_space<semaphore_mem>>)
      %dma_start3A_399 = arith.constant 1 : i32
      %dma_start3A_400 = tpu.memref_slice %arg2[%dma_start3A_399, %multiple_of3A_393] : memref<2x320000xi32, #tpu.memory_space<hbm>> -> memref<1x128xi32, #tpu.memory_space<hbm>>
      %dma_start3A_401 = tpu.memref_squeeze %dma_start3A_400 : memref<1x128xi32, #tpu.memory_space<hbm>> -> memref<128xi32, #tpu.memory_space<hbm>>
      %dma_start3A_402 = tpu.memref_slice %arg2[%dma_start3A_399, %multiple_of3A_393] : memref<2x320000xi32, #tpu.memory_space<hbm>> -> memref<1x128xi32, #tpu.memory_space<hbm>>
      %dma_start3A_403 = tpu.memref_squeeze %dma_start3A_402 : memref<1x128xi32, #tpu.memory_space<hbm>> -> memref<128xi32, #tpu.memory_space<hbm>>
      tpu.enqueue_dma source(%dma_start3A_403 : memref<128xi32, #tpu.memory_space<hbm>>) target(%arg12 : memref<128xi32, #tpu.memory_space<vmem>>) target_semaphore(%arg25 : memref<!tpu.dma_semaphore, #tpu.memory_space<semaphore_mem>>)
      %dma_wait3A_404 = arith.constant 0 : i32
      %dma_wait3A_405 = arith.constant 0 : i32
      %dma_wait3A_406 = tpu.memref_slice %arg2[%dma_wait3A_404, %dma_wait3A_405] : memref<2x320000xi32, #tpu.memory_space<hbm>> -> memref<1x128xi32, #tpu.memory_space<hbm>>
      %dma_wait3A_407 = tpu.memref_squeeze %dma_wait3A_406 : memref<1x128xi32, #tpu.memory_space<hbm>> -> memref<128xi32, #tpu.memory_space<hbm>>
      %dma_wait3A_408 = arith.constant 0 : i32
      %dma_wait3A_409 = tpu.memref_slice %arg2[%dma_wait3A_404, %dma_wait3A_408] : memref<2x320000xi32, #tpu.memory_space<hbm>> -> memref<1x128xi32, #tpu.memory_space<hbm>>
      %dma_wait3A_410 = tpu.memref_squeeze %dma_wait3A_409 : memref<1x128xi32, #tpu.memory_space<hbm>> -> memref<128xi32, #tpu.memory_space<hbm>>
      tpu.wait_dma2 semaphore(%arg25 : memref<!tpu.dma_semaphore, #tpu.memory_space<semaphore_mem>>) src(%dma_wait3A_410 : memref<128xi32, #tpu.memory_space<hbm>>) dst(%arg8 : memref<128xi32, #tpu.memory_space<vmem>>)
      %dma_wait3A_411 = arith.constant 0 : i32
      %dma_wait3A_412 = arith.constant 0 : i32
      %dma_wait3A_413 = tpu.memref_slice %arg2[%dma_wait3A_411, %dma_wait3A_412] : memref<2x320000xi32, #tpu.memory_space<hbm>> -> memref<1x128xi32, #tpu.memory_space<hbm>>
      %dma_wait3A_414 = tpu.memref_squeeze %dma_wait3A_413 : memref<1x128xi32, #tpu.memory_space<hbm>> -> memref<128xi32, #tpu.memory_space<hbm>>
      %dma_wait3A_415 = arith.constant 0 : i32
      %dma_wait3A_416 = tpu.memref_slice %arg2[%dma_wait3A_411, %dma_wait3A_415] : memref<2x320000xi32, #tpu.memory_space<hbm>> -> memref<1x128xi32, #tpu.memory_space<hbm>>
      %dma_wait3A_417 = tpu.memref_squeeze %dma_wait3A_416 : memref<1x128xi32, #tpu.memory_space<hbm>> -> memref<128xi32, #tpu.memory_space<hbm>>
      tpu.wait_dma2 semaphore(%arg25 : memref<!tpu.dma_semaphore, #tpu.memory_space<semaphore_mem>>) src(%dma_wait3A_417 : memref<128xi32, #tpu.memory_space<hbm>>) dst(%arg12 : memref<128xi32, #tpu.memory_space<vmem>>)
      %dma_start3A_418 = arith.constant 0 : i32
      %dma_start3A_419 = arith.constant 0 : i32
      %dma_start3A_420 = tpu.memref_slice %arg3[%dma_start3A_418, %dma_start3A_419] : memref<10000x128xf32, #tpu.memory_space<hbm>> -> memref<10000x128xf32, #tpu.memory_space<hbm>>
      tpu.enqueue_indirect_dma source(%dma_start3A_420 : memref<10000x128xf32, #tpu.memory_space<hbm>>) target(%arg16 : memref<128x128xf32, #tpu.memory_space<vmem>>) offsets(%arg8 : memref<128xi32, #tpu.memory_space<vmem>>) semaphore(%arg21 : memref<!tpu.dma_semaphore, #tpu.memory_space<semaphore_mem>>)
      %dma_wait3A_421 = arith.constant 0 : i32
      %dma_wait3A_422 = arith.constant 0 : i32
      %dma_wait3A_423 = tpu.memref_slice %arg3[%dma_wait3A_421, %dma_wait3A_422] : memref<10000x128xf32, #tpu.memory_space<hbm>> -> memref<128x128xf32, #tpu.memory_space<hbm>>
      %dma_wait3A_424 = arith.constant 0 : i32
      %dma_wait3A_425 = arith.constant 0 : i32
      %dma_wait3A_426 = tpu.memref_slice %arg3[%dma_wait3A_424, %dma_wait3A_425] : memref<10000x128xf32, #tpu.memory_space<hbm>> -> memref<128x128xf32, #tpu.memory_space<hbm>>
      tpu.wait_dma2 semaphore(%arg21 : memref<!tpu.dma_semaphore, #tpu.memory_space<semaphore_mem>>) src(%dma_wait3A_426 : memref<128x128xf32, #tpu.memory_space<hbm>>) dst(%arg16 : memref<128x128xf32, #tpu.memory_space<vmem>>)
      %dma_start3A_427 = arith.constant 0 : i32
      %dma_start3A_428 = arith.constant 0 : i32
      %dma_start3A_429 = tpu.memref_slice %arg19[%dma_start3A_427, %dma_start3A_428] : memref<10000x128xf32, #tpu.memory_space<vmem_shared>> -> memref<10000x128xf32, #tpu.memory_space<vmem_shared>>
      tpu.enqueue_indirect_dma source(%arg16 : memref<128x128xf32, #tpu.memory_space<vmem>>) target(%dma_start3A_429 : memref<10000x128xf32, #tpu.memory_space<vmem_shared>>) offsets(%arg12 : memref<128xi32, #tpu.memory_space<vmem>>) semaphore(%arg23 : memref<!tpu.dma_semaphore, #tpu.memory_space<semaphore_mem>>) {add = true}
      %dma_start3A_430 = arith.constant 0 : i32
      %dma_start3A_431 = tpu.memref_slice %arg20[%dma_start3A_430] : memref<10240xf32, #tpu.memory_space<vmem_shared>> -> memref<10240xf32, #tpu.memory_space<vmem_shared>>
      tpu.enqueue_indirect_dma source(%arg18 : memref<128xf32, #tpu.memory_space<vmem>>) target(%dma_start3A_431 : memref<10240xf32, #tpu.memory_space<vmem_shared>>) offsets(%arg12 : memref<128xi32, #tpu.memory_space<vmem>>) semaphore(%arg23 : memref<!tpu.dma_semaphore, #tpu.memory_space<semaphore_mem>>) {add = true}
      %dma_wait3A_432 = arith.constant 0 : i32
      %dma_wait3A_433 = arith.constant 0 : i32
      %dma_wait3A_434 = tpu.memref_slice %arg3[%dma_wait3A_432, %dma_wait3A_433] : memref<10000x128xf32, #tpu.memory_space<hbm>> -> memref<128x128xf32, #tpu.memory_space<hbm>>
      %dma_wait3A_435 = arith.constant 0 : i32
      %dma_wait3A_436 = arith.constant 0 : i32
      %dma_wait3A_437 = tpu.memref_slice %arg3[%dma_wait3A_435, %dma_wait3A_436] : memref<10000x128xf32, #tpu.memory_space<hbm>> -> memref<128x128xf32, #tpu.memory_space<hbm>>
      tpu.wait_dma2 semaphore(%arg23 : memref<!tpu.dma_semaphore, #tpu.memory_space<semaphore_mem>>) src(%dma_wait3A_437 : memref<128x128xf32, #tpu.memory_space<hbm>>) dst(%arg16 : memref<128x128xf32, #tpu.memory_space<vmem>>)
      %dma_wait3A_438 = arith.constant 0 : i32
      %dma_wait3A_439 = tpu.memref_slice %arg5[%dma_wait3A_438] : memref<10240xf32, #tpu.memory_space<hbm>> -> memref<128xf32, #tpu.memory_space<hbm>>
      %dma_wait3A_440 = arith.constant 0 : i32
      %dma_wait3A_441 = tpu.memref_slice %arg5[%dma_wait3A_440] : memref<10240xf32, #tpu.memory_space<hbm>> -> memref<128xf32, #tpu.memory_space<hbm>>
      tpu.wait_dma2 semaphore(%arg23 : memref<!tpu.dma_semaphore, #tpu.memory_space<semaphore_mem>>) src(%dma_wait3A_441 : memref<128xf32, #tpu.memory_space<hbm>>) dst(%arg18 : memref<128xf32, #tpu.memory_space<vmem>>)
    } else {
    }
    %barrier3A_383 = arith.constant 0 : index
    tpu.barrier barrier_id(%barrier3A_383)
    "tpu.region"() ({
      %run_scoped3A = tpu.sem_alloc : memref<!tpu.dma_semaphore, #tpu.memory_space<semaphore_mem>>
      %dma_start3A_389 = arith.constant 0 : i32
      %dma_start3A_390 = tpu.memref_slice %arg6[%arg0, %mul3A_61, %dma_start3A_389] : memref<2x10000x128xf32, #tpu.memory_space<hbm>> -> memref<1x624x128xf32, #tpu.memory_space<hbm>>
      %dma_start3A_391 = tpu.memref_squeeze %dma_start3A_390 : memref<1x624x128xf32, #tpu.memory_space<hbm>> -> memref<624x128xf32, #tpu.memory_space<hbm>>
      %dma_start3A_392 = arith.constant 0 : i32
      %dma_start3A_393 = tpu.memref_slice %arg19[%mul3A_61, %dma_start3A_392] : memref<10000x128xf32, #tpu.memory_space<vmem_shared>> -> memref<624x128xf32, #tpu.memory_space<vmem_shared>>
      tpu.enqueue_dma source(%dma_start3A_393 : memref<624x128xf32, #tpu.memory_space<vmem_shared>>) target(%dma_start3A_391 : memref<624x128xf32, #tpu.memory_space<hbm>>) target_semaphore(%run_scoped3A : memref<!tpu.dma_semaphore, #tpu.memory_space<semaphore_mem>>)
      %dma_wait3A_394 = arith.constant 0 : i32
      %dma_wait3A_395 = tpu.memref_slice %arg6[%arg0, %mul3A_61, %dma_wait3A_394] : memref<2x10000x128xf32, #tpu.memory_space<hbm>> -> memref<1x624x128xf32, #tpu.memory_space<hbm>>
      %dma_wait3A_396 = tpu.memref_squeeze %dma_wait3A_395 : memref<1x624x128xf32, #tpu.memory_space<hbm>> -> memref<624x128xf32, #tpu.memory_space<hbm>>
      %dma_wait3A_397 = arith.constant 0 : i32
      %dma_wait3A_398 = tpu.memref_slice %arg19[%mul3A_61, %dma_wait3A_397] : memref<10000x128xf32, #tpu.memory_space<vmem_shared>> -> memref<624x128xf32, #tpu.memory_space<vmem_shared>>
      tpu.wait_dma2 semaphore(%run_scoped3A : memref<!tpu.dma_semaphore, #tpu.memory_space<semaphore_mem>>) src(%dma_wait3A_398 : memref<624x128xf32, #tpu.memory_space<vmem_shared>>) dst(%dma_wait3A_396 : memref<624x128xf32, #tpu.memory_space<hbm>>)
      tpu.yield
    }) : () -> ()
    %eq3A_384 = arith.constant 15 : i32
    %eq3A_385 = arith.cmpi eq, %arg1, %eq3A_384 : i32
    %convert_element_type3A_386 = arith.extui %eq3A_385 : i1 to i32
    %cond3A_387 = arith.constant 0 : i32
    %cond3A_388 = arith.cmpi ne, %convert_element_type3A_386, %cond3A_387 : i32
    scf.if %cond3A_388 {
      "tpu.region"() ({
        %run_scoped3A = tpu.sem_alloc : memref<!tpu.dma_semaphore, #tpu.memory_space<semaphore_mem>>
        %dma_start3A_389 = arith.constant 9984 : i32
        %dma_start3A_390 = arith.constant 0 : i32
        %dma_start3A_391 = tpu.memref_slice %arg6[%arg0, %dma_start3A_389, %dma_start3A_390] : memref<2x10000x128xf32, #tpu.memory_space<hbm>> -> memref<1x16x128xf32, #tpu.memory_space<hbm>>
        %dma_start3A_392 = tpu.memref_squeeze %dma_start3A_391 : memref<1x16x128xf32, #tpu.memory_space<hbm>> -> memref<16x128xf32, #tpu.memory_space<hbm>>
        %dma_start3A_393 = arith.constant 9984 : i32
        %dma_start3A_394 = arith.constant 0 : i32
        %dma_start3A_395 = tpu.memref_slice %arg19[%dma_start3A_393, %dma_start3A_394] : memref<10000x128xf32, #tpu.memory_space<vmem_shared>> -> memref<16x128xf32, #tpu.memory_space<vmem_shared>>
        tpu.enqueue_dma source(%dma_start3A_395 : memref<16x128xf32, #tpu.memory_space<vmem_shared>>) target(%dma_start3A_392 : memref<16x128xf32, #tpu.memory_space<hbm>>) target_semaphore(%run_scoped3A : memref<!tpu.dma_semaphore, #tpu.memory_space<semaphore_mem>>)
        %dma_wait3A_396 = arith.constant 9984 : i32
        %dma_wait3A_397 = arith.constant 0 : i32
        %dma_wait3A_398 = tpu.memref_slice %arg6[%arg0, %dma_wait3A_396, %dma_wait3A_397] : memref<2x10000x128xf32, #tpu.memory_space<hbm>> -> memref<1x16x128xf32, #tpu.memory_space<hbm>>
        %dma_wait3A_399 = tpu.memref_squeeze %dma_wait3A_398 : memref<1x16x128xf32, #tpu.memory_space<hbm>> -> memref<16x128xf32, #tpu.memory_space<hbm>>
        %dma_wait3A_400 = arith.constant 9984 : i32
        %dma_wait3A_401 = arith.constant 0 : i32
        %dma_wait3A_402 = tpu.memref_slice %arg19[%dma_wait3A_400, %dma_wait3A_401] : memref<10000x128xf32, #tpu.memory_space<vmem_shared>> -> memref<16x128xf32, #tpu.memory_space<vmem_shared>>
        tpu.wait_dma2 semaphore(%run_scoped3A : memref<!tpu.dma_semaphore, #tpu.memory_space<semaphore_mem>>) src(%dma_wait3A_402 : memref<16x128xf32, #tpu.memory_space<vmem_shared>>) dst(%dma_wait3A_399 : memref<16x128xf32, #tpu.memory_space<hbm>>)
        tpu.yield
      }) : () -> ()
    } else {
    }
    "tpu.region"() ({
      %run_scoped3A = tpu.sem_alloc : memref<!tpu.dma_semaphore, #tpu.memory_space<semaphore_mem>>
      %dma_start3A_389 = tpu.memref_slice %arg7[%arg0, %mul3A_65] : memref<2x10240xf32, #tpu.memory_space<hbm>> -> memref<1x640xf32, #tpu.memory_space<hbm>>
      %dma_start3A_390 = tpu.memref_squeeze %dma_start3A_389 : memref<1x640xf32, #tpu.memory_space<hbm>> -> memref<640xf32, #tpu.memory_space<hbm>>
      %dma_start3A_391 = tpu.memref_slice %arg20[%mul3A_65] : memref<10240xf32, #tpu.memory_space<vmem_shared>> -> memref<640xf32, #tpu.memory_space<vmem_shared>>
      tpu.enqueue_dma source(%dma_start3A_391 : memref<640xf32, #tpu.memory_space<vmem_shared>>) target(%dma_start3A_390 : memref<640xf32, #tpu.memory_space<hbm>>) target_semaphore(%run_scoped3A : memref<!tpu.dma_semaphore, #tpu.memory_space<semaphore_mem>>)
      %dma_wait3A_392 = tpu.memref_slice %arg7[%arg0, %mul3A_65] : memref<2x10240xf32, #tpu.memory_space<hbm>> -> memref<1x640xf32, #tpu.memory_space<hbm>>
      %dma_wait3A_393 = tpu.memref_squeeze %dma_wait3A_392 : memref<1x640xf32, #tpu.memory_space<hbm>> -> memref<640xf32, #tpu.memory_space<hbm>>
      %dma_wait3A_394 = tpu.memref_slice %arg20[%mul3A_65] : memref<10240xf32, #tpu.memory_space<vmem_shared>> -> memref<640xf32, #tpu.memory_space<vmem_shared>>
      tpu.wait_dma2 semaphore(%run_scoped3A : memref<!tpu.dma_semaphore, #tpu.memory_space<semaphore_mem>>) src(%dma_wait3A_394 : memref<640xf32, #tpu.memory_space<vmem_shared>>) dst(%dma_wait3A_393 : memref<640xf32, #tpu.memory_space<hbm>>)
      tpu.yield
    }) : () -> ()
    return
  }
}

module attributes {stable_mosaic.version = 14 : i64} {
  func.func @_combine_body(%arg0: i32, %arg1: memref<2x2000x128xf32, #tpu.memory_space<vmem>>, %arg2: memref<2x2000x1xf32, #tpu.memory_space<vmem>>, %arg3: memref<2000x128xf32, #tpu.memory_space<vmem>>, %arg4: memref<128x128xf32, #tpu.memory_space<vmem>>, %arg5: memref<1x128xf32, #tpu.memory_space<vmem>>, %arg6: memref<128x128xf32, #tpu.memory_space<vmem>>, %arg7: memref<2000x128xf32, #tpu.memory_space<vmem>>) attributes {dimension_semantics = [#tpu.dimension_semantics<arbitrary>], iteration_bounds = array<i64: 5>, scalar_prefetch = 0 : i64, scratch_operands = 0 : i64, tpu.core_type = #tpu.core_type<tc>, window_params = [{transform_indices = @transform_0, window_bounds = array<i64: 2, 2000, 128>}, {transform_indices = @transform_1, window_bounds = array<i64: 2, 2000, 1>}, {transform_indices = @transform_2, window_bounds = array<i64: 2000, 128>}, {pipeline_mode = #tpu.pipeline_mode<synchronous>, transform_indices = @transform_3, window_bounds = array<i64: 128, 128>}, {pipeline_mode = #tpu.pipeline_mode<synchronous>, transform_indices = @transform_4, window_bounds = array<i64: 1, 128>}, {pipeline_mode = #tpu.pipeline_mode<synchronous>, transform_indices = @transform_5, window_bounds = array<i64: 128, 128>}, {transform_indices = @transform_6, window_bounds = array<i64: 2000, 128>}]} {
    %get3A = arith.constant 0 : index
    %get3A_0 = arith.constant 0 : index
    %get3A_1 = arith.constant 0 : index
    %get3A_2 = vector.load %arg1[%get3A, %get3A_0, %get3A_1] : memref<2x2000x128xf32, #tpu.memory_space<vmem>>, vector<1x2000x128xf32>
    %get3A_3 = vector.shape_cast %get3A_2 : vector<1x2000x128xf32> to vector<2000x128xf32>
    %get3A_4 = arith.constant 1 : index
    %get3A_5 = arith.constant 0 : index
    %get3A_6 = arith.constant 0 : index
    %get3A_7 = vector.load %arg1[%get3A_4, %get3A_5, %get3A_6] : memref<2x2000x128xf32, #tpu.memory_space<vmem>>, vector<1x2000x128xf32>
    %get3A_8 = vector.shape_cast %get3A_7 : vector<1x2000x128xf32> to vector<2000x128xf32>
    %add3A = arith.addf %get3A_3, %get3A_8 : vector<2000x128xf32>
    %get3A_9 = arith.constant 0 : index
    %get3A_10 = arith.constant 0 : index
    %get3A_11 = arith.constant 0 : index
    %get3A_12 = vector.load %arg2[%get3A_9, %get3A_10, %get3A_11] : memref<2x2000x1xf32, #tpu.memory_space<vmem>>, vector<1x2000x1xf32>
    %get3A_13 = vector.shape_cast %get3A_12 : vector<1x2000x1xf32> to vector<2000x1xf32>
    %get3A_14 = arith.constant 1 : index
    %get3A_15 = arith.constant 0 : index
    %get3A_16 = arith.constant 0 : index
    %get3A_17 = vector.load %arg2[%get3A_14, %get3A_15, %get3A_16] : memref<2x2000x1xf32, #tpu.memory_space<vmem>>, vector<1x2000x1xf32>
    %get3A_18 = vector.shape_cast %get3A_17 : vector<1x2000x1xf32> to vector<2000x1xf32>
    %add3A_19 = arith.addf %get3A_13, %get3A_18 : vector<2000x1xf32>
    %max3A = arith.constant 1.000000e+00 : f32
    %max3A_20 = vector.broadcast %max3A : f32 to vector<2000x1xf32>
    %max3A_21 = arith.maximumf %add3A_19, %max3A_20 : vector<2000x1xf32>
    %div3A = vector.broadcast %max3A_21 : vector<2000x1xf32> to vector<2000x128xf32>
    %div3A_22 = arith.divf %add3A, %div3A : vector<2000x128xf32>
    %get3A_23 = arith.constant 0 : index
    %get3A_24 = arith.constant 0 : index
    %get3A_25 = vector.load %arg4[%get3A_23, %get3A_24] : memref<128x128xf32, #tpu.memory_space<vmem>>, vector<128x128xf32>
    %dot_general3A = arith.constant dense<0.000000e+00> : vector<2000x128xf32>
    %dot_general3A_26 = tpu.matmul %div3A_22, %get3A_25, %dot_general3A {dimension_numbers = #tpu.dot_dimension_numbers<[1], [1], [0], [0], [0, 0, 1, 0], [], []>, transpose_lhs_hint = false} : vector<2000x128xf32>, vector<128x128xf32>, vector<2000x128xf32> -> vector<2000x128xf32>
    %get3A_27 = arith.constant 0 : index
    %get3A_28 = arith.constant 0 : index
    %get3A_29 = vector.load %arg3[%get3A_27, %get3A_28] : memref<2000x128xf32, #tpu.memory_space<vmem>>, vector<2000x128xf32>
    %get3A_30 = arith.constant 0 : index
    %get3A_31 = arith.constant 0 : index
    %get3A_32 = vector.load %arg6[%get3A_30, %get3A_31] : memref<128x128xf32, #tpu.memory_space<vmem>>, vector<128x128xf32>
    %dot_general3A_33 = arith.constant dense<0.000000e+00> : vector<2000x128xf32>
    %dot_general3A_34 = tpu.matmul %get3A_29, %get3A_32, %dot_general3A_33 {dimension_numbers = #tpu.dot_dimension_numbers<[1], [1], [0], [0], [0, 0, 1, 0], [], []>, transpose_lhs_hint = false} : vector<2000x128xf32>, vector<128x128xf32>, vector<2000x128xf32> -> vector<2000x128xf32>
    %add3A_35 = arith.addf %dot_general3A_26, %dot_general3A_34 : vector<2000x128xf32>
    %get3A_36 = arith.constant 0 : index
    %get3A_37 = arith.constant 0 : index
    %get3A_38 = vector.load %arg5[%get3A_36, %get3A_37] : memref<1x128xf32, #tpu.memory_space<vmem>>, vector<1x128xf32>
    %add3A_39 = vector.broadcast %get3A_38 : vector<1x128xf32> to vector<2000x128xf32>
    %add3A_40 = arith.addf %add3A_35, %add3A_39 : vector<2000x128xf32>
    %gt3A = arith.constant 0.000000e+00 : f32
    %gt3A_41 = vector.broadcast %gt3A : f32 to vector<2000x128xf32>
    %gt3A_42 = arith.cmpf ogt, %add3A_40, %gt3A_41 : vector<2000x128xf32>
    %mul3A = arith.constant 5.000000e-01 : f32
    %mul3A_43 = vector.broadcast %mul3A : f32 to vector<2000x128xf32>
    %mul3A_44 = arith.mulf %mul3A_43, %add3A_40 : vector<2000x128xf32>
    %select_n3A = arith.select %gt3A_42, %add3A_40, %mul3A_44 : vector<2000x128xi1>, vector<2000x128xf32>
    %swap3A = arith.constant 0 : index
    %swap3A_45 = arith.constant 0 : index
    %swap3A_46 = vector.load %arg7[%swap3A, %swap3A_45] : memref<2000x128xf32, #tpu.memory_space<vmem>>, vector<2000x128xf32>
    tpu.vector_store %arg7[%swap3A, %swap3A_45], %select_n3A {strides = array<i32>} : memref<2000x128xf32, #tpu.memory_space<vmem>>, vector<2000x128xf32>,
    return
  }
  func.func @transform_0(%arg0: i32) -> (i32, i32, i32) {
    %c0_i32 = arith.constant 0 : i32
    %c0_i32_0 = arith.constant 0 : i32
    %c0_i32_1 = arith.constant 0 : i32
    return %c0_i32, %arg0, %c0_i32_0 : i32, i32, i32
  }
  func.func @transform_1(%arg0: i32) -> (i32, i32, i32) {
    %c0_i32 = arith.constant 0 : i32
    %c0_i32_0 = arith.constant 0 : i32
    %c0_i32_1 = arith.constant 0 : i32
    return %c0_i32, %arg0, %c0_i32_0 : i32, i32, i32
  }
  func.func @transform_2(%arg0: i32) -> (i32, i32) {
    %c0_i32 = arith.constant 0 : i32
    %c0_i32_0 = arith.constant 0 : i32
    return %arg0, %c0_i32 : i32, i32
  }
  func.func @transform_3(%arg0: i32) -> (i32, i32) {
    %c0_i32 = arith.constant 0 : i32
    %c0_i32_0 = arith.constant 0 : i32
    %c0_i32_1 = arith.constant 0 : i32
    return %c0_i32, %c0_i32_0 : i32, i32
  }
  func.func @transform_4(%arg0: i32) -> (i32, i32) {
    %c0_i32 = arith.constant 0 : i32
    %c0_i32_0 = arith.constant 0 : i32
    %c0_i32_1 = arith.constant 0 : i32
    return %c0_i32, %c0_i32_0 : i32, i32
  }
  func.func @transform_5(%arg0: i32) -> (i32, i32) {
    %c0_i32 = arith.constant 0 : i32
    %c0_i32_0 = arith.constant 0 : i32
    %c0_i32_1 = arith.constant 0 : i32
    return %c0_i32, %c0_i32_0 : i32, i32
  }
  func.func @transform_6(%arg0: i32) -> (i32, i32) {
    %c0_i32 = arith.constant 0 : i32
    %c0_i32_0 = arith.constant 0 : i32
    return %arg0, %c0_i32 : i32, i32
  }
}

</mosaic_0001>

<sc_bundles>
// kernel: kernel.4.cloned.1.call-start
scs
__scs_entry_jumppad:
0x0: {  	(pc) =	sbr.rel $0x88, $3  }
0x1: {  	(tag) =	ssettag $0x0;
	lr =	simm.s32 $0x1  }
0x2: {  	[smem:$0x3F9C] =	sst lr;
	_ =	strace $0xD0000000  }
0x3: {  	_ = 	snop  }
0x4: {  	_ = 	snop  }
0x5: {  	_ = 	snop  }
0x6: {  	_ = 	snop  }
0x7: {  	_ = 	snop  }
__scs_overlays_trampoline_lowered:
0x8: {  	[smem:$0x3FAB] =	sst s0  }
0x9: {  	[smem:$0x3FAC] =	sst s1  }
0xa: {  	[smem:$0x3FAD] =	sst s2  }
0xb: {  	[smem:$0x3FAE] =	sst s3  }
0xc: {  	[smem:$0x3FAF] =	sst s4  }
0xd: {  	[smem:$0x3FB0] =	sst s5  }
0xe: {  	[smem:$0x3FB1] =	sst s6  }
0xf: {  	[smem:$0x3FB2] =	sst s7  }
0x10: {  	[smem:$0x3FB3] =	sst s8  }
0x11: {  	[smem:$0x3FB4] =	sst s9;
	s0 =	simm.s32 @!p0 $0x0  }
0x12: {  	s1 =	sld [smem:$0x3F9A];
	s0 =	simm.s32 @p0 $0x1  }
0x13: {  	[smem:$0x3FB5] =	sst s0;
	s0 =	simm.s32 @!p1 $0x0  }
0x14: {  	s2 =	sld [smem:$0x3F99];
	s0 =	simm.s32 @p1 $0x1  }
0x15: {  	[smem:$0x3FB6] =	sst s0;
	s0 =	simm.s32 @!p2 $0x0  }
0x16: {  	s3 =	sld [smem:$0x3FDB];
	s0 =	simm.s32 @p2 $0x1  }
0x17: {  	s4 =	simm.s32 $0x1BF5;
	[smem:$0x3FB8] =	sst s0  }
0x18: {  	s0 =	sld [smem:$0x3F9B];
	_ =	swait.ge [sflag:s4], $0x0  }
0x19: {  	s7 =	sld [smem:$0x3F9C]  }
0x1a: {  	s8 =	sadd.s32 $0xFFFFE003, lr  }
0x1b: {  	s9 =	sadd.s32 $0xFFFFFEF7, lr;
	s5 =	simm.s32 $0xFFFFFFFF;
	p2 =	slt.u32 s8, $0xFFFFF086  }
0x1c: {  	p1 =	slt.u32 s9, $0xF7A;
	s5 =	simm.s32 @!p2 $0x0  }
0x1d: {  	s5 =	simm.s32 @p1 $0x1;
	p0 =	seq.s32 s7, s2  }
0x1e: {  	s7 =	smul.u32 @!p0 $0xF7A, s2;
	p2 =	seq.s32 @!p0 s5, $0x0  }
0x1f: {  	s9 =	smul.u32 $0xF7A, s1;
	s8 =	simm.s32 @!p0 $0x1BF5;
	p2 =	por !p2, p0  }
0x20: {  	[sflag:s8] =	ssyncset.s32 @!p0 $0xFFFFF086;
	s6 =	sadd.s32 @!p0 s3, s7;
	s7 =	simm.s32 @!p0 $0x108  }
0x21: {  	s3 =	sadd.s32 s3, s9;
	s6 =	sadd.s32 @!p0 $0x88, s6;
	s7 =	simm.s32 @p2 $0x1082  }
0x22: {  	[simem:s7], [sflag:s8] =	dma.local @!p0 [hbm:s6], $0xF7A  }
0x23: {  	s9 =	sor.u32 $0xD0000000, s2;
	s6 =	simm.s32 $0x108;
	_ =	swait.ge @!p0 [sflag:s8], $0x0  }
0x24: {  	s3 =	sadd.s32 $0x88, s3;
	s6 =	simm.s32 @!p1 $0x1082;
	[sflag:s4] =	ssyncset.s32 $0xFFFFF086  }
0x25: {  	[simem:s6], [sflag:s4] =	dma.local [hbm:s3], $0xF7A  }
0x26: {  	[smem:$0x3F9C] =	sst s1;
	(tag) =	ssettag s2;
	_ =	strace s9  }
0x27: {  	s1 =	sld [smem:$0x3FAC]  }
0x28: {  	s2 =	sld [smem:$0x3FAD]  }
0x29: {  	s4 =	sld [smem:$0x3FAF]  }
0x2a: {  	p0 =	seq.s32 s5, $0x0;
	s5 =	sld [smem:$0x3FB0]  }
0x2b: {  	s6 =	sld [smem:$0x3FB1]  }
0x2c: {  	s7 =	sld [smem:$0x3FB2]  }
0x2d: {  	s3 =	simm.s32 $0x108;
	s8 =	sld [smem:$0x3FB3]  }
0x2e: {  	s3 =	simm.s32 @!p0 $0x1082;
	s9 =	sld [smem:$0x3FB4]  }
0x2f: {  	lr =	sadd.s32 s0, s3;
	s0 =	sld [smem:$0x3FAB]  }
0x30: {  	s3 =	sld [smem:$0x3FAE]  }
0x31: {  	[smem:$0x3FB7] =	sst s10  }
0x32: {  	s10 =	sld [smem:$0x3FB5];
	_ =	sdelay $0x3  }
0x33: {  	p0 =	seq.s32 s10, $0x1;
	s10 =	sld [smem:$0x3FB7];
	_ =	sdelay $0x3  }
0x34: {  	[smem:$0x3FB7] =	sst s10  }
0x35: {  	s10 =	sld [smem:$0x3FB6];
	_ =	sdelay $0x3  }
0x36: {  	p1 =	seq.s32 s10, $0x1;
	s10 =	sld [smem:$0x3FB7];
	_ =	sdelay $0x3  }
0x37: {  	[smem:$0x3FB7] =	sst s10  }
0x38: {  	s10 =	sld [smem:$0x3FB8]  }
0x39: {  	_ = 	snop;
	(pc) =	sbr.ind lr, $3  }
0x3a: {  	_ = 	snop  }
0x3b: {  	_ = 	snop  }
0x3c: {  	p2 =	seq.s32 s10, $0x1;
	s10 =	sld [smem:$0x3FB7]  }
0x3d: {  	_ =	shalt  }
0x3e: {  	_ =	shalt  }
0x3f: {  	_ =	shalt  }
0x40: {  	_ =	shalt  }
0x41: {  	_ =	shalt  }
0x42: {  	_ =	shalt  }
0x43: {  	_ =	shalt  }
0x44: {  	_ =	shalt  }
0x45: {  	_ =	shalt  }
0x46: {  	_ =	shalt  }
0x47: {  	_ =	shalt  }
0x48: {  	_ =	shalt  }
0x49: {  	_ =	shalt  }
0x4a: {  	_ =	shalt  }
0x4b: {  	_ =	shalt  }
0x4c: {  	_ =	shalt  }
0x4d: {  	_ =	shalt  }
0x4e: {  	_ =	shalt  }
0x4f: {  	_ =	shalt  }
0x50: {  	_ =	shalt  }
0x51: {  	_ =	shalt  }
0x52: {  	_ =	shalt  }
0x53: {  	_ =	shalt  }
0x54: {  	_ =	shalt  }
0x55: {  	_ =	shalt  }
0x56: {  	_ =	shalt  }
0x57: {  	_ =	shalt  }
0x58: {  	_ =	shalt  }
0x59: {  	_ =	shalt  }
0x5a: {  	_ =	shalt  }
0x5b: {  	_ =	shalt  }
0x5c: {  	_ =	shalt  }
0x5d: {  	_ =	shalt  }
0x5e: {  	_ =	shalt  }
0x5f: {  	_ =	shalt  }
0x60: {  	_ =	shalt  }
0x61: {  	_ =	shalt  }
0x62: {  	_ =	shalt  }
0x63: {  	_ =	shalt  }
0x64: {  	_ =	shalt  }
0x65: {  	_ =	shalt  }
0x66: {  	_ =	shalt  }
0x67: {  	_ =	shalt  }
0x68: {  	_ =	shalt  }
0x69: {  	_ =	shalt  }
0x6a: {  	_ =	shalt  }
0x6b: {  	_ =	shalt  }
0x6c: {  	_ =	shalt  }
0x6d: {  	_ =	shalt  }
0x6e: {  	_ =	shalt  }
0x6f: {  	_ =	shalt  }
0x70: {  	_ =	shalt  }
0x71: {  	_ =	shalt  }
0x72: {  	_ =	shalt  }
0x73: {  	_ =	shalt  }
0x74: {  	_ =	shalt  }
0x75: {  	_ =	shalt  }
0x76: {  	_ =	shalt  }
0x77: {  	_ =	shalt  }
0x78: {  	_ =	shalt  }
0x79: {  	_ =	shalt  }
0x7a: {  	_ =	shalt  }
0x7b: {  	_ =	shalt  }
0x7c: {  	_ =	shalt  }
0x7d: {  	_ =	shalt  }
0x7e: {  	_ =	shalt  }
0x7f: {  	_ =	shalt  }
0x80: {  	_ =	shalt  }
0x81: {  	_ =	shalt  }
0x82: {  	_ =	shalt  }
0x83: {  	_ =	shalt  }
0x84: {  	_ =	shalt  }
0x85: {  	_ =	shalt  }
0x86: {  	_ =	shalt  }
0x87: {  	_ =	shalt  }
.Lfunc_end0:
.L_simem_size_0:
called_computation_lowered:
.L_overlay_start_0:
0x88: {  	s2 =	sld [smem:$0x3FD9]  }
0x89: {  	s3 =	sld [smem:$0x3FFE];
	_ =	sdelay $0x1  }
0x8a: {  	s1 =	srdreg.scid  }
0x8b: {  	s0 =	sand.u32 $0x1, s1  }
0x8c: {  	s14 =	sshll.u32 s0, $0xA;
	s2 =	sadd.s32 s3, s2  }
0x8d: {  	s2 =	sadd.s32 s2, s14  }
0x8e: {  	[smem:$0x3FC3] =	sst s2  }
0x8f: {  	_ = 	snop  }
0x90: {  	s2 =	sld [smem:$0x3FD0];
	_ =	sdelay $0x1  }
0x91: {  	s15 =	sld [smem:$0x3FC9]  }
0x92: {  	s5 =	simm.s32 $0xA;
	s6 =	simm.s32 $0x10;
	s4 =	sld [smem:$0x3FC8]  }
0x93: {  	[smem:s6], [sflag:s5] =	dma.local [hbm:s2], $0x1  }
0x94: {  	_ =	swait.eq [sflag:s5], $0x1  }
0x95: {  	[sflag:s5] =	ssyncset.done $0x0  }
0x96: {  	s16 =	sld [smem:$0x10];
	[sflag:s5] =	ssyncadd.s32 $0xFFFFFFFF  }
0x97: {  	s17 =	sld [smem:$0x11];
	(tm) =	ssettm $0x1  }
0x98: {  	s18 =	sld [smem:$0x3FFB];
	_ =	sdelay $0x3  }
0x99: {  	_ =	strace s18  }
0x9a: {  	s6 =	sld [smem:$0x3FFC];
	_ =	sdelay $0x3  }
0x9b: {  	_ =	strace s6  }
0x9c: {  	s6 =	sld [smem:$0x3FFD];
	_ =	sdelay $0x3  }
0x9d: {  	_ =	strace s6  }
0x9e: {  	_ =	strace $0x8FFFFFFF  }
0x9f: {  	s19 =	sld [smem:$0x3FDB];
	_ =	sdelay $0x1  }
0xa0: {  	s7 =	simm.s32 $_scs_section_size  }
0xa1: {  	s8 =	simm.s32 $_size__tile_overlayer_lowered;
	s9 =	simm.s32 $_tile_overlayer_lowered  }
0xa2: {  	s22 =	simm.s32 $0x1BFF;
	s21 =	sshll.u32 s9, $0x1;
	s6 =	sadd.s32 s7, s19  }
0xa3: {  	s10 =	simm.s32 $0x0;
	s20 =	sshll.u32 s8, $0x1;
	s8 =	sadd.s32 s21, s6  }
0xa4: {  	[timem:s10], [sflag:s22] =	dma.local [hbm:s8], s20  }
0xa5: {  	_ =	swait.ge [sflag:s22], s20  }
0xa6: {  	s7 =	ssub.s32 $0x0, s20;
	[sflag:s22] =	ssyncset.done $0x0  }
0xa7: {  	[sflag:s22] =	ssyncadd.s32 s7;
	_ =	sdelay $0x1  }
0xa8: {  	s23 =	simm.s32 $0x1B8B  }
0xa9: {  	_ =	swait.ge [sflag:s23], $0x1  }
0xaa: {  	[sflag:s23] =	ssyncset.done $0x0  }
0xab: {  	s25 =	simm.s32 $0x1B8E;
	s24 =	sld [smem:$0x3FFE];
	[sflag:s23] =	ssyncadd.s32 $0xFFFFFFFF  }
0xac: {  	s26 =	simm.s32 $execute0_lowered;
	[smem:$0x3FD2] =	sst s25  }
0xad: {  	s8 =	sshll.u32 s26, $0x1;
	_ =	strace $0x80000046;
	[dreg:$0x1] =	wrdreg $0xFFFFFFFF  }
0xae: {  	s28 =	simm.s32 $_size_execute0_lowered;
	s6 =	sadd.s32 s6, s8;
	[dreg:$0x0] =	wrdreg $0x0  }
0xaf: {  	s8 =	sshll.u32 s28, $0x1;
	[dreg:$0x2] =	wrdreg s6  }
0xb0: {  	[dreg:$0x3] =	wrdreg s8  }
0xb1: {  	[dreg:$0x4] =	wrdreg $0xC0  }
0xb2: {  	_ =	task [dreg:s10], $0x5FFFF  }
0xb3: {  	[dreg:$0x1] =	wrdreg $0xFFFFFFFF  }
0xb4: {  	[dreg:$0x0] =	wrdreg $0x60  }
0xb5: {  	[dreg:$0x2] =	wrdreg s4  }
0xb6: {  	[dreg:$0x3] =	wrdreg s15  }
0xb7: {  	[dreg:$0x4] =	wrdreg s17  }
0xb8: {  	[dreg:$0x5] =	wrdreg s24  }
0xb9: {  	[dreg:$0x6] =	wrdreg s16  }
0xba: {  	[dreg:$0x7] =	wrdreg $0x84800  }
0xbb: {  	[dreg:$0x8] =	wrdreg $0x1BD000  }
0xbc: {  	[dreg:$0x9] =	wrdreg $0x9  }
0xbd: {  	_ =	task.clear_ibuf [dreg:s10], $0xAFFFF;
	_ =	strace $0x90000046  }
0xbe: {  	s29 =	simm.s32 $0x9;
	_ =	strace $0x80000048  }
0xbf: {  	_ =	swait.ge [sflag:s29], $0x1  }
0xc0: {  	[sflag:s29] =	ssyncadd.s32 $0xFFFFFFFF  }
0xc1: {  	_ =	strace $0x90000048  }
0xc2: {  	_ =	sfence  }
0xc3: {  	s30 =	sld [smem:$0x0];
	_ =	sdelay $0x2  }
0xc4: {  	s31 =	sshll.u32 s1, $0xD;
	s1 =	sshrl.u32 s1, $0x2  }
0xc5: {  	s3 =	sand.u32 $0x4000, s31;
	s1 =	sadd.s32 s1, s30  }
0xc6: {  	s0 =	sor.u32 s3, s0;
	s1 =	sshll.u32 s1, $0x11  }
0xc7: {  	s0 =	sor.u32 s1, s0  }
0xc8: {  	s0 =	sadd.s32 $0x8F2B, s0  }
0xc9: {  	[sflag:s0] =	ssyncadd.remote.s32 $0x1  }
0xca: {  	_ =	sfence.sel $0xFFFF  }
0xcb: {  	[dreg:$0x0] =	wrdreg $0xFFFFFFFF;
	(pc) =	sbr.abs _section_cstart, $3  }
0xcc: {  	[dreg:$0x1] =	wrdreg $0xFFFFFFFF  }
0xcd: {  	_ =	task.clear_ibuf [dreg:s10], $0x2FFFF;
	_ =	strace $0x9FFFFFFF  }
0xce: {  	(tm) =	ssettm $0x7FFFFFFF  }
0xcf: {  	_ =	shalt  }
tec
execute0_lowered:
.L_overlay_start_1:
0x0: {  	(tag) =	ssettag $0x1  }
0x1: {  	s1 =	rddreg [dreg:$0x0]  }
0x2: {  	s0 =	rddreg [dreg:$0x1]  }
0x3: {  	s3 =	rddreg [dreg:$0x2]  }
0x4: {  	s6 =	rddreg [dreg:$0x3]  }
0x5: {  	s10 =	rddreg [dreg:$0x4]  }
0x6: {  	s2 =	rddreg [dreg:$0x5];
	s20 =	stileid.u32  }
0x7: {  	s4 =	rddreg [dreg:$0x6];
	s8 =	smul.u32 $0x280, s20  }
0x8: {  	s5 =	srdreg.scid;
	s31 =	simm.s32 $0x200;
	s28 =	smul.u32 $0x500, s20  }
0x9: {  	s11 =	sand.u32 $0x1, s5;
	s7 =	sshll.u32 s20, $0x1;
	s30 =	smul.u32 $0x9C00, s20  }
0xa: {  	s5 =	simm.s32 $0x0;
	s14 =	sadd.s32 $0x1E00, s6;
	s19 =	smul.u32 $0x4E000, s20  }
0xb: {  	p0 =	sne.s32 s20, $0xF;
	p1 =	sgt.u32 s20, $0x1;
	s7 =	sor.u32 s11, s7  }
0xc: {  	[smem:$0x7FF] =	sst s5;
	s24 =	ssub.s32 $0x2, s11;
	s16 =	smul.u32 $0x138800, s11  }
0xd: {  	s21 =	sshll.u32 s11, $0x7;
	s11 =	smul.u32 $0x4E00, s11;
	s9 =	sshrl.u32 s8, $0x3  }
0xe: {  	s12 =	smul.u32 $0x4E00, s7;
	_ =	strace $0x80000047;
	s15 =	sshrl.u32 s24, $0x1  }
0xf: {  	s7 =	sshll.u32 s7, $0x5;
	s13 =	sadd.s32 s9, s6;
	s9 =	ssub.s32 s24, s15  }
0x10: {  	s15 =	sor.u32 s21, s28;
	s11 =	sadd.s32 s11, s30;
	s7 =	sadd.s32 s7, s1  }
0x11: {  	s25 =	sshrl.u32 s12, $0x3;
	s12 =	smul.u32 $0x13800, s20;
	s15 =	sshrl.u32 s15, $0x3  }
0x12: {  	s21 =	sadd.s32 $0x700, s11;
	s20 =	simm.s32 $0x2;
	s10 =	sadd.s32 s10, s15  }
0x13: {  	s6 =	sadd.s32 s1, s25;
	s25 =	sshrl.u32 s19, $0x2;
	[dreg:$0x17] =	wrdreg s10  }
0x14: {  	s26 =	sadd.s32 $0x10, s6;
	s17 =	sadd.s32 $0x20, s6;
	[dreg:$0x10] =	wrdreg s6  }
0x15: {  	s29 =	sadd.s32 $0x30, s6;
	s18 =	sadd.s32 $0x40, s6;
	[dreg:$0x11] =	wrdreg s26  }
0x16: {  	s22 =	sadd.s32 s12, s16;
	s23 =	sadd.s32 $0x50, s6;
	[dreg:$0x12] =	wrdreg s17  }
0x17: {  	s16 =	sshrl.u32 s16, $0x3;
	s30 =	sadd.s32 s25, s2;
	[dreg:$0x13] =	wrdreg s29  }
0x18: {  	s12 =	sshrl.u32 s12, $0x3;
	s25 =	sadd.s32 $0x600, s11;
	[dreg:$0x14] =	wrdreg s18  }
0x19: {  	[dreg:$0x15] =	wrdreg s23;
	s24 =	sshrl.u32 s22, $0x3;
	s26 =	sadd.s32 $0x880, s11  }
0x1a: {  	s29 =	sadd.s32 $0x800, s11;
	[dreg:$0x18] =	wrdreg s30;
	s18 =	sadd.s32 $0x780, s11  }
0x1b: {  	s23 =	sadd.s32 $0x680, s11;
	s12 =	sadd.s32 s3, s12;
	s30 =	sadd.s32 $0x138000, s2  }
0x1c: {  	s3 =	sadd.s32 $0x27000, s3;
	s17 =	sadd.s32 s14, s24;
	[dreg:$0x19] =	wrdreg s12  }
0x1d: {  	s14 =	sadd.s32 s14, s16;
	s28 =	sshrl.u32 s26, $0x3;
	[dreg:$0x1a] =	wrdreg s30  }
0x1e: {  	s15 =	sshrl.u32 s29, $0x3;
	s19 =	sshrl.u32 s18, $0x3;
	[dreg:$0x1b] =	wrdreg s3  }
0x1f: {  	s24 =	sshrl.u32 s23, $0x3;
	s23 =	sadd.s32 $0x13810, s7;
	[dreg:$0x16] =	wrdreg s17  }
0x20: {  	s26 =	sshrl.u32 s25, $0x3;
	s25 =	smax.u32 s9, $0x1;
	[smem:$0x7F7] =	sst s23  }
0x21: {  	s29 =	sadd.s32 $0x580, s11;
	s30 =	sadd.s32 $0x9B0, s6;
	[smem:$0x7F9] =	sst s25  }
0x22: {  	s18 =	sadd.s32 $0x500, s11;
	s10 =	sadd.s32 s28, s1;
	[smem:$0x7FD] =	sst s30  }
0x23: {  	s9 =	simm.s32 $0x5;
	s17 =	sadd.s32 s15, s1;
	[dreg:$0x8] =	wrdreg s10  }
0x24: {  	s11 =	simm.s32 $0x9;
	s28 =	sadd.s32 s26, s1;
	[dreg:$0x9] =	wrdreg s17  }
0x25: {  	s15 =	sshrl.u32 s21, $0x3;
	s21 =	sadd.s32 $0x70, s6;
	[dreg:$0xd] =	wrdreg s28  }
0x26: {  	s12 =	sshrl.u32 s29, $0x3;
	s26 =	sadd.s32 $0x80, s6;
	[dreg:$0x1f] =	wrdreg s21  }
0x27: {  	s3 =	sshrl.u32 s18, $0x3;
	s29 =	sadd.s32 $0x9A0, s6;
	[smem:$0x7FA] =	sst s26  }
0x28: {  	s18 =	simm.s32 $0x3;
	s10 =	sadd.s32 s19, s1;
	[smem:$0x7FC] =	sst s29  }
0x29: {  	s23 =	simm.s32 $0x0;
	s22 =	sadd.s32 s15, s1;
	[dreg:$0xa] =	wrdreg s10  }
0x2a: {  	s15 =	sadd.s32 s8, s4;
	s16 =	sadd.s32 s12, s1;
	[dreg:$0xb] =	wrdreg s22  }
0x2b: {  	s17 =	sadd.s32 $0x1800, s13;
	s19 =	sadd.s32 $0x60, s6;
	[dreg:$0x1c] =	wrdreg s15  }
0x2c: {  	s28 =	sadd.s32 $0x90, s6;
	s8 =	simm.s32 $0x300;
	[dreg:$0x1d] =	wrdreg s17  }
0x2d: {  	s12 =	simm.s32 $0x6;
	s13 =	simm.s32 $0x4400;
	[dreg:$0xe] =	wrdreg s16  }
0x2e: {  	s21 =	simm.s32 $0x4;
	s10 =	sadd.s32 s24, s1;
	[dreg:$0x1e] =	wrdreg s19  }
0x2f: {  	s1 =	sadd.s32 s3, s1;
	s22 =	sadd.s32 $0x13800, s7;
	[smem:$0x7FB] =	sst s28  }
0x30: {  	s24 =	sadd.s32 $0x27000, s14;
	s3 =	simm.s32 $0x80;
	[dreg:$0xc] =	wrdreg s10  }
0x31: {  	s7 =	simm.s32 $0x100;
	s14 =	simm.s32 $0x1;
	[dreg:$0xf] =	wrdreg s1  }
0x32: {  	s15 =	simm.s32 $0x8400;
	s16 =	simm.s32 $0x180;
	[smem:$0x7F6] =	sst s22  }
0x33: {  	s17 =	simm.s32 $0x380;
	s19 =	simm.s32 $0x7;
	[smem:$0x7F8] =	sst s24  }
0x34: {  	v0 =	vimm.f32 $1.000000000e+00;
	s1 =	simm.s32 $0x280;
	s10 =	simm.s32 $0x400;
	s22 =	simm.s32 $0x8  }
.LBB2_1:
0x35: {  	s6 =	rddreg [dreg:$0x10]  }
0x36: {  	[tilespmem:s5], [sflag:$0x5] =	stream.linear.gather [hbm4b:s6+s5], $0x80, $0x38;
	[tilespmem:$0x1BF80] =	vst v63  }
0x37: {  	s25 =	rddreg [dreg:$0x11]  }
0x38: {  	[tilespmem:s31], [sflag:$0x5] =	stream.linear.gather [hbm4b:s25+s5], $0x80, $0x38;
	[tilespmem:$0x1BF80] =	vst v63  }
0x39: {  	s26 =	rddreg [dreg:$0x12]  }
0x3a: {  	[tilespmem:s3], [sflag:$0x6] =	stream.linear.gather [hbm4b:s26+s5], $0x80, $0x38;
	[tilespmem:$0x1BF80] =	vst v63  }
0x3b: {  	s24 =	rddreg [dreg:$0x13]  }
0x3c: {  	[tilespmem:s1], [sflag:$0x6] =	stream.linear.gather [hbm4b:s24+s5], $0x80, $0x38;
	[tilespmem:$0x1BF80] =	vst v63  }
0x3d: {  	s25 =	rddreg [dreg:$0x14]  }
0x3e: {  	[tilespmem:s7], [sflag:$0x7] =	stream.linear.gather [hbm4b:s25+s5], $0x80, $0x38;
	[tilespmem:$0x1BF80] =	vst v63  }
0x3f: {  	s26 =	rddreg [dreg:$0x15]  }
0x40: {  	[tilespmem:s8], [sflag:$0x7] =	stream.linear.gather [hbm4b:s26+s5], $0x80, $0x38;
	[tilespmem:$0x1BF80] =	vst v63  }
0x41: {  	_ =	swait.ge [sflag:s9], $0x80  }
0x42: {  	[sflag:s9] =	ssyncset.done $0x0  }
0x43: {  	[sflag:s9] =	ssyncadd.s32 $0xFFFFFF80  }
0x44: {  	s24 =	stileid.u32;
	_ =	swait.ge [sflag:s9], $0x80  }
0x45: {  	s24 =	sshll.u32 s24, $0x6;
	[sflag:s9] =	ssyncset.done $0x0;
	s25 =	rddreg [dreg:$0x18]  }
0x46: {  	s26 =	rddreg [dreg:$0x19];
	[sflag:s9] =	ssyncadd.s32 $0xFFFFFF80;
	s25 =	sshrl.u32 s25, $0x3  }
0x47: {  	[tilespmem:s10], [sflag:$0x1] =	stream.indirect.gather [hbm4b:s0+s3], $0x80, s5, s3, $0xb8;
	[tilespmem:$0x1BF80] =	vst v63  }
0x48: {  	s24 =	sor.u32 $0x1C09, s24;
	[smem:$0x7F5] =	sst s25  }
0x49: {  	[spmem:s25], [sflag:s24] =	dma.local [hbm:s26], $0x2700  }
0x4a: {  	_ =	swait.ge [sflag:s11], $0x2700  }
0x4b: {  	s28 =	simm.s32 @!p0 $0x9;
	[sflag:s11] =	ssyncset.done $0x0;
	s6 =	rddreg [dreg:$0x1a]  }
0x4c: {  	[sflag:s11] =	ssyncadd.s32 $0xFFFFD900;
	s26 =	sshrl.u32 @!p0 s6, $0x3;
	s6 =	rddreg [dreg:$0x1b]  }
0x4d: {  	[spmem:s26], [sflag:s24] =	dma.local @!p0 [hbm:s6], $0x100  }
0x4e: {  	_ =	swait.ge @!p0 [sflag:s28], $0x100  }
0x4f: {  	[sflag:s28] =	ssyncset.done @!p0 $0x0;
	s25 =	rddreg [dreg:$0x1c]  }
0x50: {  	[sflag:s28] =	ssyncadd.s32 @!p0 $0xFFFFFF00;
	s28 =	sshrl.u32 s25, $0x3;
	s25 =	rddreg [dreg:$0x1d]  }
0x51: {  	[spmem:s28], [sflag:s24] =	dma.local [hbm:s25], $0x50  }
0x52: {  	_ =	swait.ge [sflag:s11], $0x50  }
0x53: {  	[sflag:s11] =	ssyncset.done $0x0  }
0x54: {  	[sflag:s11] =	ssyncadd.s32 $0xFFFFFFB0  }
0x55: {  	[tilespmem:$0x8400] =	vst v0  }
0x56: {  	[tilespmem:$0x8410] =	vst v0  }
0x57: {  	[tilespmem:$0x8420] =	vst v0  }
0x58: {  	[tilespmem:$0x8430] =	vst v0  }
0x59: {  	[tilespmem:$0x8440] =	vst v0  }
0x5a: {  	[tilespmem:$0x8450] =	vst v0  }
0x5b: {  	[tilespmem:$0x8460] =	vst v0  }
0x5c: {  	[tilespmem:$0x8470] =	vst v0  }
0x5d: {  	[bflag:$0x0] =	sbarrier.arrive $0xFFFF  }
0x5e: {  	_ =	swait.ge [sflag:s12], $0x80  }
0x5f: {  	[sflag:s12] =	ssyncset.done $0x0  }
0x60: {  	[sflag:s12] =	ssyncadd.s32 $0xFFFFFF80  }
0x61: {  	_ =	swait.ge [sflag:s12], $0x80  }
0x62: {  	[sflag:s12] =	ssyncset.done $0x0  }
0x63: {  	[sflag:s12] =	ssyncadd.s32 $0xFFFFFF80  }
0x64: {  	[tilespmem:s13], [sflag:$0x2] =	stream.indirect.gather [hbm4b:s0+s3], $0x80, s3, s3, $0xb8;
	[tilespmem:$0x1BF80] =	vst v63  }
0x65: {  	_ =	swait.ge [sflag:s14], $0x4000  }
0x66: {  	[sflag:s14] =	ssyncset.done $0x0  }
0x67: {  	[sflag:s14] =	ssyncadd.s32 $0xFFFFC000  }
0x68: {  	[spmem:s2] =	stream.indirect.scatter.add.f32 [tilespmem:s10], [sflag:$0x3], $0x80, s31, s3, $0xb8;
	[tilespmem:$0x1BF80] =	vst v63  }
0x69: {  	_ = 	snop  }
0x6a: {  	[spmem:s4] =	stream.indirect.scatter.add.f32 [tilespmem:s15], [sflag:$0x3], $0x1, s31, s3, $0xb8;
	[tilespmem:$0x1BF80] =	vst v63  }
0x6b: {  	s25 =	rddreg [dreg:$0x1e]  }
0x6c: {  	[tilespmem:s16], [sflag:$0x8] =	stream.linear.gather [hbm4b:s25+s5], $0x80, $0x38;
	[tilespmem:$0x1BF80] =	vst v63  }
0x6d: {  	s25 =	rddreg [dreg:$0x1f]  }
0x6e: {  	[tilespmem:s17], [sflag:$0x8] =	stream.linear.gather [hbm4b:s25+s5], $0x80, $0x38;
	[tilespmem:$0x1BF80] =	vst v63  }
0x6f: {  	_ =	swait.ge [sflag:s18], $0x4000  }
0x70: {  	[sflag:s18] =	ssyncset.done $0x0  }
0x71: {  	[sflag:s18] =	ssyncadd.s32 $0xFFFFC000  }
0x72: {  	_ =	swait.ge [sflag:s18], $0x80  }
0x73: {  	[sflag:s18] =	ssyncset.done $0x0  }
0x74: {  	[sflag:s18] =	ssyncadd.s32 $0xFFFFFF80  }
0x75: {  	_ =	swait.ge [sflag:s19], $0x80  }
0x76: {  	[sflag:s19] =	ssyncset.done $0x0  }
0x77: {  	[sflag:s19] =	ssyncadd.s32 $0xFFFFFF80  }
0x78: {  	_ =	swait.ge [sflag:s19], $0x80  }
0x79: {  	[sflag:s19] =	ssyncset.done $0x0  }
0x7a: {  	[sflag:s19] =	ssyncadd.s32 $0xFFFFFF80  }
0x7b: {  	[tilespmem:s10], [sflag:$0x1] =	stream.indirect.gather [hbm4b:s0+s3], $0x80, s7, s3, $0xb8;
	[tilespmem:$0x1BF80] =	vst v63  }
0x7c: {  	_ =	swait.ge [sflag:s20], $0x4000  }
0x7d: {  	[sflag:s20] =	ssyncset.done $0x0  }
0x7e: {  	[sflag:s20] =	ssyncadd.s32 $0xFFFFC000  }
0x7f: {  	[spmem:s2] =	stream.indirect.scatter.add.f32 [tilespmem:s13], [sflag:$0x4], $0x80, s1, s3, $0xb8;
	[tilespmem:$0x1BF80] =	vst v63  }
0x80: {  	s25 =	sld [smem:$0x7FA]  }
0x81: {  	[spmem:s4] =	stream.indirect.scatter.add.f32 [tilespmem:s15], [sflag:$0x4], $0x1, s1, s3, $0xb8;
	[tilespmem:$0x1BF80] =	vst v63  }
0x82: {  	_ = 	snop  }
0x83: {  	[tilespmem:s5], [sflag:$0x5] =	stream.linear.gather [hbm4b:s25+s5], $0x80, $0x38;
	[tilespmem:$0x1BF80] =	vst v63  }
0x84: {  	s25 =	sld [smem:$0x7FB];
	_ =	sdelay $0x2  }
0x85: {  	[tilespmem:s31], [sflag:$0x5] =	stream.linear.gather [hbm4b:s25+s5], $0x80, $0x38;
	[tilespmem:$0x1BF80] =	vst v63  }
0x86: {  	_ =	swait.ge [sflag:s21], $0x4000  }
0x87: {  	[sflag:s21] =	ssyncset.done $0x0  }
0x88: {  	[sflag:s21] =	ssyncadd.s32 $0xFFFFC000  }
0x89: {  	_ =	swait.ge [sflag:s21], $0x80  }
0x8a: {  	[sflag:s21] =	ssyncset.done $0x0  }
0x8b: {  	[sflag:s21] =	ssyncadd.s32 $0xFFFFFF80  }
0x8c: {  	_ =	swait.ge [sflag:s22], $0x80  }
0x8d: {  	[sflag:s22] =	ssyncset.done $0x0  }
0x8e: {  	[sflag:s22] =	ssyncadd.s32 $0xFFFFFF80  }
0x8f: {  	_ =	swait.ge [sflag:s22], $0x80  }
0x90: {  	[sflag:s22] =	ssyncset.done $0x0  }
0x91: {  	[sflag:s22] =	ssyncadd.s32 $0xFFFFFF80  }
0x92: {  	[tilespmem:s13], [sflag:$0x2] =	stream.indirect.gather [hbm4b:s0+s3], $0x80, s16, s3, $0xb8;
	[tilespmem:$0x1BF80] =	vst v63  }
0x93: {  	_ =	swait.ge [sflag:s14], $0x4000  }
0x94: {  	[sflag:s14] =	ssyncset.done $0x0  }
0x95: {  	[sflag:s14] =	ssyncadd.s32 $0xFFFFC000  }
0x96: {  	[spmem:s2] =	stream.indirect.scatter.add.f32 [tilespmem:s10], [sflag:$0x3], $0x80, s8, s3, $0xb8;
	[tilespmem:$0x1BF80] =	vst v63  }
0x97: {  	s29 =	rddreg [dreg:$0xf]  }
0x98: {  	[spmem:s4] =	stream.indirect.scatter.add.f32 [tilespmem:s15], [sflag:$0x3], $0x1, s8, s3, $0xb8;
	[tilespmem:$0x1BF80] =	vst v63  }
0x99: {  	s30 =	rddreg [dreg:$0xe];
	s29 =	sadd.s32 $0x0, s29  }
0x9a: {  	[tilespmem:s3], [sflag:$0x6] =	stream.linear.gather [hbm4b:s29+s5], $0x80, $0x38;
	[tilespmem:$0x1BF80] =	vst v63  }
0x9b: {  	s29 =	sadd.s32 $0x0, s30  }
0x9c: {  	[tilespmem:s1], [sflag:$0x6] =	stream.linear.gather [hbm4b:s29+s5], $0x80, $0x38;
	[tilespmem:$0x1BF80] =	vst v63  }
0x9d: {  	_ =	swait.ge [sflag:s18], $0x4000  }
0x9e: {  	[sflag:s18] =	ssyncset.done $0x0  }
0x9f: {  	[sflag:s18] =	ssyncadd.s32 $0xFFFFC000  }
0xa0: {  	_ =	swait.ge [sflag:s18], $0x80  }
0xa1: {  	[sflag:s18] =	ssyncset.done $0x0  }
0xa2: {  	[sflag:s18] =	ssyncadd.s32 $0xFFFFFF80  }
0xa3: {  	_ =	swait.ge [sflag:s9], $0x80  }
0xa4: {  	[sflag:s9] =	ssyncset.done $0x0  }
0xa5: {  	[sflag:s9] =	ssyncadd.s32 $0xFFFFFF80  }
0xa6: {  	_ =	swait.ge [sflag:s9], $0x80  }
0xa7: {  	[sflag:s9] =	ssyncset.done $0x0  }
0xa8: {  	[sflag:s9] =	ssyncadd.s32 $0xFFFFFF80  }
0xa9: {  	[tilespmem:s10], [sflag:$0x1] =	stream.indirect.gather [hbm4b:s0+s3], $0x80, s5, s3, $0xb8;
	[tilespmem:$0x1BF80] =	vst v63  }
0xaa: {  	_ =	swait.ge [sflag:s20], $0x4000  }
0xab: {  	[sflag:s20] =	ssyncset.done $0x0  }
0xac: {  	[sflag:s20] =	ssyncadd.s32 $0xFFFFC000  }
0xad: {  	[spmem:s2] =	stream.indirect.scatter.add.f32 [tilespmem:s13], [sflag:$0x4], $0x80, s17, s3, $0xb8;
	[tilespmem:$0x1BF80] =	vst v63  }
0xae: {  	s29 =	rddreg [dreg:$0xd]  }
0xaf: {  	[spmem:s4] =	stream.indirect.scatter.add.f32 [tilespmem:s15], [sflag:$0x4], $0x1, s17, s3, $0xb8;
	[tilespmem:$0x1BF80] =	vst v63  }
0xb0: {  	s30 =	rddreg [dreg:$0xc];
	s29 =	sadd.s32 $0x0, s29  }
0xb1: {  	[tilespmem:s7], [sflag:$0x7] =	stream.linear.gather [hbm4b:s29+s5], $0x80, $0x38;
	[tilespmem:$0x1BF80] =	vst v63  }
0xb2: {  	s29 =	sadd.s32 $0x0, s30  }
0xb3: {  	[tilespmem:s8], [sflag:$0x7] =	stream.linear.gather [hbm4b:s29+s5], $0x80, $0x38;
	[tilespmem:$0x1BF80] =	vst v63  }
0xb4: {  	_ =	swait.ge [sflag:s21], $0x4000  }
0xb5: {  	[sflag:s21] =	ssyncset.done $0x0  }
0xb6: {  	[sflag:s21] =	ssyncadd.s32 $0xFFFFC000  }
0xb7: {  	_ =	swait.ge [sflag:s21], $0x80  }
0xb8: {  	[sflag:s21] =	ssyncset.done $0x0  }
0xb9: {  	[sflag:s21] =	ssyncadd.s32 $0xFFFFFF80  }
0xba: {  	_ =	swait.ge [sflag:s12], $0x80  }
0xbb: {  	[sflag:s12] =	ssyncset.done $0x0  }
0xbc: {  	[sflag:s12] =	ssyncadd.s32 $0xFFFFFF80  }
0xbd: {  	_ =	swait.ge [sflag:s12], $0x80  }
0xbe: {  	[sflag:s12] =	ssyncset.done $0x0  }
0xbf: {  	[sflag:s12] =	ssyncadd.s32 $0xFFFFFF80  }
0xc0: {  	[tilespmem:s13], [sflag:$0x2] =	stream.indirect.gather [hbm4b:s0+s3], $0x80, s3, s3, $0xb8;
	[tilespmem:$0x1BF80] =	vst v63  }
0xc1: {  	_ =	swait.ge [sflag:s14], $0x4000  }
0xc2: {  	[sflag:s14] =	ssyncset.done $0x0  }
0xc3: {  	[sflag:s14] =	ssyncadd.s32 $0xFFFFC000  }
0xc4: {  	[spmem:s2] =	stream.indirect.scatter.add.f32 [tilespmem:s10], [sflag:$0x3], $0x80, s31, s3, $0xb8;
	[tilespmem:$0x1BF80] =	vst v63  }
0xc5: {  	s29 =	rddreg [dreg:$0xb]  }
0xc6: {  	[spmem:s4] =	stream.indirect.scatter.add.f32 [tilespmem:s15], [sflag:$0x3], $0x1, s31, s3, $0xb8;
	[tilespmem:$0x1BF80] =	vst v63  }
0xc7: {  	s30 =	rddreg [dreg:$0xa];
	s29 =	sadd.s32 $0x0, s29  }
0xc8: {  	[tilespmem:s16], [sflag:$0x8] =	stream.linear.gather [hbm4b:s29+s5], $0x80, $0x38;
	[tilespmem:$0x1BF80] =	vst v63  }
0xc9: {  	s29 =	sadd.s32 $0x0, s30  }
0xca: {  	[tilespmem:s17], [sflag:$0x8] =	stream.linear.gather [hbm4b:s29+s5], $0x80, $0x38;
	[tilespmem:$0x1BF80] =	vst v63  }
0xcb: {  	_ =	swait.ge [sflag:s18], $0x4000  }
0xcc: {  	[sflag:s18] =	ssyncset.done $0x0  }
0xcd: {  	[sflag:s18] =	ssyncadd.s32 $0xFFFFC000  }
0xce: {  	_ =	swait.ge [sflag:s18], $0x80  }
0xcf: {  	[sflag:s18] =	ssyncset.done $0x0  }
0xd0: {  	[sflag:s18] =	ssyncadd.s32 $0xFFFFFF80  }
0xd1: {  	_ =	swait.ge [sflag:s19], $0x80  }
0xd2: {  	[sflag:s19] =	ssyncset.done $0x0  }
0xd3: {  	[sflag:s19] =	ssyncadd.s32 $0xFFFFFF80  }
0xd4: {  	_ =	swait.ge [sflag:s19], $0x80  }
0xd5: {  	[sflag:s19] =	ssyncset.done $0x0  }
0xd6: {  	[sflag:s19] =	ssyncadd.s32 $0xFFFFFF80  }
0xd7: {  	[tilespmem:s10], [sflag:$0x1] =	stream.indirect.gather [hbm4b:s0+s3], $0x80, s7, s3, $0xb8;
	[tilespmem:$0x1BF80] =	vst v63  }
0xd8: {  	_ =	swait.ge [sflag:s20], $0x4000  }
0xd9: {  	[sflag:s20] =	ssyncset.done $0x0  }
0xda: {  	[sflag:s20] =	ssyncadd.s32 $0xFFFFC000  }
0xdb: {  	[spmem:s2] =	stream.indirect.scatter.add.f32 [tilespmem:s13], [sflag:$0x4], $0x80, s1, s3, $0xb8;
	[tilespmem:$0x1BF80] =	vst v63  }
0xdc: {  	s29 =	rddreg [dreg:$0x9]  }
0xdd: {  	[spmem:s4] =	stream.indirect.scatter.add.f32 [tilespmem:s15], [sflag:$0x4], $0x1, s1, s3, $0xb8;
	[tilespmem:$0x1BF80] =	vst v63  }
0xde: {  	s30 =	rddreg [dreg:$0x8];
	s29 =	sadd.s32 $0x0, s29  }
0xdf: {  	[tilespmem:s5], [sflag:$0x5] =	stream.linear.gather [hbm4b:s29+s5], $0x80, $0x38;
	[tilespmem:$0x1BF80] =	vst v63  }
0xe0: {  	s30 =	sadd.s32 $0x0, s30;
	s29 =	simm.s32 $0x80  }
.LBB2_2:
0xe1: {  	[tilespmem:s31], [sflag:$0x5] =	stream.linear.gather [hbm4b:s30+s5], $0x80, $0x38;
	[tilespmem:$0x1BF80] =	vst v63  }
0xe2: {  	_ =	swait.ge [sflag:s21], $0x4000  }
0xe3: {  	[sflag:s21] =	ssyncset.done $0x0  }
0xe4: {  	[sflag:s21] =	ssyncadd.s32 $0xFFFFC000  }
0xe5: {  	_ =	swait.ge [sflag:s21], $0x80  }
0xe6: {  	[sflag:s21] =	ssyncset.done $0x0  }
0xe7: {  	[sflag:s21] =	ssyncadd.s32 $0xFFFFFF80  }
0xe8: {  	_ =	swait.ge [sflag:s22], $0x80  }
0xe9: {  	[sflag:s22] =	ssyncset.done $0x0  }
0xea: {  	[sflag:s22] =	ssyncadd.s32 $0xFFFFFF80  }
0xeb: {  	_ =	swait.ge [sflag:s22], $0x80  }
0xec: {  	[sflag:s22] =	ssyncset.done $0x0  }
0xed: {  	[sflag:s22] =	ssyncadd.s32 $0xFFFFFF80  }
0xee: {  	[tilespmem:s13], [sflag:$0x2] =	stream.indirect.gather [hbm4b:s0+s3], $0x80, s16, s3, $0xb8;
	[tilespmem:$0x1BF80] =	vst v63  }
0xef: {  	_ =	swait.ge [sflag:s14], $0x4000  }
0xf0: {  	[sflag:s14] =	ssyncset.done $0x0  }
0xf1: {  	[sflag:s14] =	ssyncadd.s32 $0xFFFFC000  }
0xf2: {  	[spmem:s2] =	stream.indirect.scatter.add.f32 [tilespmem:s10], [sflag:$0x3], $0x80, s8, s3, $0xb8;
	[tilespmem:$0x1BF80] =	vst v63  }
0xf3: {  	s30 =	smov.u32 s29;
	s6 =	rddreg [dreg:$0xf]  }
0xf4: {  	[spmem:s4] =	stream.indirect.scatter.add.f32 [tilespmem:s15], [sflag:$0x3], $0x1, s8, s3, $0xb8;
	[tilespmem:$0x1BF80] =	vst v63  }
0xf5: {  	s25 =	rddreg [dreg:$0xe];
	s6 =	sadd.s32 s30, s6  }
0xf6: {  	[tilespmem:s3], [sflag:$0x6] =	stream.linear.gather [hbm4b:s6+s5], $0x80, $0x38;
	[tilespmem:$0x1BF80] =	vst v63  }
0xf7: {  	s25 =	sadd.s32 s30, s25  }
0xf8: {  	[tilespmem:s1], [sflag:$0x6] =	stream.linear.gather [hbm4b:s25+s5], $0x80, $0x38;
	[tilespmem:$0x1BF80] =	vst v63  }
0xf9: {  	_ =	swait.ge [sflag:s18], $0x4000  }
0xfa: {  	[sflag:s18] =	ssyncset.done $0x0  }
0xfb: {  	[sflag:s18] =	ssyncadd.s32 $0xFFFFC000  }
0xfc: {  	_ =	swait.ge [sflag:s18], $0x80  }
0xfd: {  	[sflag:s18] =	ssyncset.done $0x0  }
0xfe: {  	[sflag:s18] =	ssyncadd.s32 $0xFFFFFF80  }
0xff: {  	_ =	swait.ge [sflag:s9], $0x80  }
0x100: {  	[sflag:s9] =	ssyncset.done $0x0  }
0x101: {  	[sflag:s9] =	ssyncadd.s32 $0xFFFFFF80  }
0x102: {  	_ =	swait.ge [sflag:s9], $0x80  }
0x103: {  	[sflag:s9] =	ssyncset.done $0x0  }
0x104: {  	[sflag:s9] =	ssyncadd.s32 $0xFFFFFF80  }
0x105: {  	[tilespmem:s10], [sflag:$0x1] =	stream.indirect.gather [hbm4b:s0+s3], $0x80, s5, s3, $0xb8;
	[tilespmem:$0x1BF80] =	vst v63  }
0x106: {  	_ =	swait.ge [sflag:s20], $0x4000  }
0x107: {  	[sflag:s20] =	ssyncset.done $0x0  }
0x108: {  	[sflag:s20] =	ssyncadd.s32 $0xFFFFC000  }
0x109: {  	[spmem:s2] =	stream.indirect.scatter.add.f32 [tilespmem:s13], [sflag:$0x4], $0x80, s17, s3, $0xb8;
	[tilespmem:$0x1BF80] =	vst v63  }
0x10a: {  	s6 =	rddreg [dreg:$0xd]  }
0x10b: {  	[spmem:s4] =	stream.indirect.scatter.add.f32 [tilespmem:s15], [sflag:$0x4], $0x1, s17, s3, $0xb8;
	[tilespmem:$0x1BF80] =	vst v63  }
0x10c: {  	s25 =	rddreg [dreg:$0xc];
	s6 =	sadd.s32 s30, s6  }
0x10d: {  	[tilespmem:s7], [sflag:$0x7] =	stream.linear.gather [hbm4b:s6+s5], $0x80, $0x38;
	[tilespmem:$0x1BF80] =	vst v63  }
0x10e: {  	s25 =	sadd.s32 s30, s25  }
0x10f: {  	[tilespmem:s8], [sflag:$0x7] =	stream.linear.gather [hbm4b:s25+s5], $0x80, $0x38;
	[tilespmem:$0x1BF80] =	vst v63  }
0x110: {  	_ =	swait.ge [sflag:s21], $0x4000  }
0x111: {  	[sflag:s21] =	ssyncset.done $0x0  }
0x112: {  	[sflag:s21] =	ssyncadd.s32 $0xFFFFC000  }
0x113: {  	_ =	swait.ge [sflag:s21], $0x80  }
0x114: {  	[sflag:s21] =	ssyncset.done $0x0  }
0x115: {  	[sflag:s21] =	ssyncadd.s32 $0xFFFFFF80  }
0x116: {  	_ =	swait.ge [sflag:s12], $0x80  }
0x117: {  	[sflag:s12] =	ssyncset.done $0x0  }
0x118: {  	[sflag:s12] =	ssyncadd.s32 $0xFFFFFF80  }
0x119: {  	_ =	swait.ge [sflag:s12], $0x80  }
0x11a: {  	[sflag:s12] =	ssyncset.done $0x0  }
0x11b: {  	[sflag:s12] =	ssyncadd.s32 $0xFFFFFF80  }
0x11c: {  	[tilespmem:s13], [sflag:$0x2] =	stream.indirect.gather [hbm4b:s0+s3], $0x80, s3, s3, $0xb8;
	[tilespmem:$0x1BF80] =	vst v63  }
0x11d: {  	_ =	swait.ge [sflag:s14], $0x4000  }
0x11e: {  	[sflag:s14] =	ssyncset.done $0x0  }
0x11f: {  	[sflag:s14] =	ssyncadd.s32 $0xFFFFC000  }
0x120: {  	[spmem:s2] =	stream.indirect.scatter.add.f32 [tilespmem:s10], [sflag:$0x3], $0x80, s31, s3, $0xb8;
	[tilespmem:$0x1BF80] =	vst v63  }
0x121: {  	s6 =	rddreg [dreg:$0xb]  }
0x122: {  	[spmem:s4] =	stream.indirect.scatter.add.f32 [tilespmem:s15], [sflag:$0x3], $0x1, s31, s3, $0xb8;
	[tilespmem:$0x1BF80] =	vst v63  }
0x123: {  	s25 =	rddreg [dreg:$0xa];
	s6 =	sadd.s32 s30, s6  }
0x124: {  	[tilespmem:s16], [sflag:$0x8] =	stream.linear.gather [hbm4b:s6+s5], $0x80, $0x38;
	[tilespmem:$0x1BF80] =	vst v63  }
0x125: {  	s25 =	sadd.s32 s30, s25  }
0x126: {  	[tilespmem:s17], [sflag:$0x8] =	stream.linear.gather [hbm4b:s25+s5], $0x80, $0x38;
	[tilespmem:$0x1BF80] =	vst v63  }
0x127: {  	_ =	swait.ge [sflag:s18], $0x4000  }
0x128: {  	[sflag:s18] =	ssyncset.done $0x0  }
0x129: {  	[sflag:s18] =	ssyncadd.s32 $0xFFFFC000  }
0x12a: {  	_ =	swait.ge [sflag:s18], $0x80  }
0x12b: {  	[sflag:s18] =	ssyncset.done $0x0  }
0x12c: {  	[sflag:s18] =	ssyncadd.s32 $0xFFFFFF80  }
0x12d: {  	_ =	swait.ge [sflag:s19], $0x80  }
0x12e: {  	[sflag:s19] =	ssyncset.done $0x0  }
0x12f: {  	[sflag:s19] =	ssyncadd.s32 $0xFFFFFF80  }
0x130: {  	_ =	swait.ge [sflag:s19], $0x80  }
0x131: {  	[sflag:s19] =	ssyncset.done $0x0  }
0x132: {  	[sflag:s19] =	ssyncadd.s32 $0xFFFFFF80  }
0x133: {  	[tilespmem:s10], [sflag:$0x1] =	stream.indirect.gather [hbm4b:s0+s3], $0x80, s7, s3, $0xb8;
	[tilespmem:$0x1BF80] =	vst v63  }
0x134: {  	_ =	swait.ge [sflag:s20], $0x4000  }
0x135: {  	[sflag:s20] =	ssyncset.done $0x0  }
0x136: {  	p2 =	sne.s32 s29, $0x880;
	[sflag:s20] =	ssyncadd.s32 $0xFFFFC000  }
0x137: {  	[spmem:s2] =	stream.indirect.scatter.add.f32 [tilespmem:s13], [sflag:$0x4], $0x80, s1, s3, $0xb8;
	[tilespmem:$0x1BF80] =	vst v63  }
.Ltmp0:
0x138: {  	s6 =	rddreg [dreg:$0x9];
	(pc) =	sbr.rel @p2 .LBB2_2-.Ltmp0, $4  }
0x139: {  	s25 =	rddreg [dreg:$0x8]  }
0x13a: {  	[spmem:s4] =	stream.indirect.scatter.add.f32 [tilespmem:s15], [sflag:$0x4], $0x1, s1, s3, $0xb8;
	[tilespmem:$0x1BF80] =	vst v63  }
0x13b: {  	s29 =	sadd.s32 $0x80, s29;
	s6 =	sadd.s32 s30, s6;
	s30 =	sadd.s32 s30, s25  }
0x13c: {  	[tilespmem:s5], [sflag:$0x5] =	stream.linear.gather [hbm4b:s6+s5], $0x80, $0x38;
	[tilespmem:$0x1BF80] =	vst v63  }
0x13d: {  	[tilespmem:s31], [sflag:$0x5] =	stream.linear.gather [hbm4b:s30+s5], $0x80, $0x38;
	[tilespmem:$0x1BF80] =	vst v63  }
0x13e: {  	_ =	swait.ge [sflag:s21], $0x4000  }
0x13f: {  	[sflag:s21] =	ssyncset.done $0x0  }
0x140: {  	[sflag:s21] =	ssyncadd.s32 $0xFFFFC000  }
0x141: {  	_ =	swait.ge [sflag:s21], $0x80  }
0x142: {  	[sflag:s21] =	ssyncset.done $0x0  }
0x143: {  	[sflag:s21] =	ssyncadd.s32 $0xFFFFFF80  }
0x144: {  	_ =	swait.ge [sflag:s22], $0x80  }
0x145: {  	[sflag:s22] =	ssyncset.done $0x0  }
0x146: {  	[sflag:s22] =	ssyncadd.s32 $0xFFFFFF80  }
0x147: {  	_ =	swait.ge [sflag:s22], $0x80  }
0x148: {  	[sflag:s22] =	ssyncset.done $0x0  }
0x149: {  	[sflag:s22] =	ssyncadd.s32 $0xFFFFFF80  }
0x14a: {  	[tilespmem:s13], [sflag:$0x2] =	stream.indirect.gather [hbm4b:s0+s3], $0x80, s16, s3, $0xb8;
	[tilespmem:$0x1BF80] =	vst v63  }
0x14b: {  	_ =	swait.ge [sflag:s14], $0x4000  }
0x14c: {  	[sflag:s14] =	ssyncset.done $0x0  }
0x14d: {  	[sflag:s14] =	ssyncadd.s32 $0xFFFFC000  }
0x14e: {  	[spmem:s2] =	stream.indirect.scatter.add.f32 [tilespmem:s10], [sflag:$0x3], $0x80, s8, s3, $0xb8;
	[tilespmem:$0x1BF80] =	vst v63  }
0x14f: {  	s6 =	sld [smem:$0x7FC]  }
0x150: {  	[spmem:s4] =	stream.indirect.scatter.add.f32 [tilespmem:s15], [sflag:$0x3], $0x1, s8, s3, $0xb8;
	[tilespmem:$0x1BF80] =	vst v63  }
0x151: {  	s25 =	sld [smem:$0x7FD]  }
0x152: {  	[tilespmem:s3], [sflag:$0x6] =	stream.linear.gather [hbm4b:s6+s5], $0x80, $0x38;
	[tilespmem:$0x1BF80] =	vst v63  }
0x153: {  	_ = 	snop  }
0x154: {  	[tilespmem:s1], [sflag:$0x6] =	stream.linear.gather [hbm4b:s25+s5], $0x80, $0x38;
	[tilespmem:$0x1BF80] =	vst v63  }
0x155: {  	_ =	swait.ge [sflag:s18], $0x4000  }
0x156: {  	[sflag:s18] =	ssyncset.done $0x0  }
0x157: {  	[sflag:s18] =	ssyncadd.s32 $0xFFFFC000  }
0x158: {  	_ =	swait.ge [sflag:s18], $0x80  }
0x159: {  	[sflag:s18] =	ssyncset.done $0x0  }
0x15a: {  	[sflag:s18] =	ssyncadd.s32 $0xFFFFFF80  }
0x15b: {  	_ =	swait.ge [sflag:s9], $0x80  }
0x15c: {  	[sflag:s9] =	ssyncset.done $0x0  }
0x15d: {  	[sflag:s9] =	ssyncadd.s32 $0xFFFFFF80  }
0x15e: {  	_ =	swait.ge [sflag:s9], $0x80  }
0x15f: {  	[sflag:s9] =	ssyncset.done $0x0  }
0x160: {  	[sflag:s9] =	ssyncadd.s32 $0xFFFFFF80  }
0x161: {  	[tilespmem:s10], [sflag:$0x1] =	stream.indirect.gather [hbm4b:s0+s3], $0x80, s5, s3, $0xb8;
	[tilespmem:$0x1BF80] =	vst v63  }
0x162: {  	_ =	swait.ge [sflag:s20], $0x4000  }
0x163: {  	[sflag:s20] =	ssyncset.done $0x0  }
0x164: {  	[sflag:s20] =	ssyncadd.s32 $0xFFFFC000  }
0x165: {  	[spmem:s2] =	stream.indirect.scatter.add.f32 [tilespmem:s13], [sflag:$0x4], $0x80, s17, s3, $0xb8;
	[tilespmem:$0x1BF80] =	vst v63  }
0x166: {  	_ = 	snop  }
0x167: {  	[spmem:s4] =	stream.indirect.scatter.add.f32 [tilespmem:s15], [sflag:$0x4], $0x1, s17, s3, $0xb8;
	[tilespmem:$0x1BF80] =	vst v63  }
0x168: {  	_ =	swait.ge [sflag:s21], $0x4000  }
0x169: {  	[sflag:s21] =	ssyncset.done $0x0  }
0x16a: {  	[sflag:s21] =	ssyncadd.s32 $0xFFFFC000  }
0x16b: {  	_ =	swait.ge [sflag:s21], $0x80  }
0x16c: {  	[sflag:s21] =	ssyncset.done $0x0  }
0x16d: {  	[sflag:s21] =	ssyncadd.s32 $0xFFFFFF80  }
0x16e: {  	_ =	swait.ge [sflag:s12], $0x80  }
0x16f: {  	[sflag:s12] =	ssyncset.done $0x0  }
0x170: {  	[sflag:s12] =	ssyncadd.s32 $0xFFFFFF80  }
0x171: {  	_ =	swait.ge [sflag:s12], $0x80  }
0x172: {  	[sflag:s12] =	ssyncset.done $0x0  }
0x173: {  	[sflag:s12] =	ssyncadd.s32 $0xFFFFFF80  }
0x174: {  	[tilespmem:s13], [sflag:$0x2] =	stream.indirect.gather [hbm4b:s0+s3], $0x80, s3, s3, $0xb8;
	[tilespmem:$0x1BF80] =	vst v63  }
0x175: {  	_ =	swait.ge [sflag:s14], $0x4000  }
0x176: {  	[sflag:s14] =	ssyncset.done $0x0  }
0x177: {  	[sflag:s14] =	ssyncadd.s32 $0xFFFFC000  }
0x178: {  	[spmem:s2] =	stream.indirect.scatter.add.f32 [tilespmem:s10], [sflag:$0x3], $0x80, s31, s3, $0xb8;
	[tilespmem:$0x1BF80] =	vst v63  }
0x179: {  	_ = 	snop  }
0x17a: {  	[spmem:s4] =	stream.indirect.scatter.add.f32 [tilespmem:s15], [sflag:$0x3], $0x1, s31, s3, $0xb8;
	[tilespmem:$0x1BF80] =	vst v63  }
0x17b: {  	_ =	swait.ge [sflag:s18], $0x4000  }
0x17c: {  	[sflag:s18] =	ssyncset.done $0x0  }
0x17d: {  	[sflag:s18] =	ssyncadd.s32 $0xFFFFC000  }
0x17e: {  	_ =	swait.ge [sflag:s18], $0x80  }
0x17f: {  	[sflag:s18] =	ssyncset.done $0x0  }
0x180: {  	[sflag:s18] =	ssyncadd.s32 $0xFFFFFF80  }
0x181: {  	_ =	swait.ge [sflag:s20], $0x4000  }
0x182: {  	[sflag:s20] =	ssyncset.done $0x0  }
0x183: {  	[sflag:s20] =	ssyncadd.s32 $0xFFFFC000  }
0x184: {  	[spmem:s2] =	stream.indirect.scatter.add.f32 [tilespmem:s13], [sflag:$0x4], $0x80, s1, s3, $0xb8;
	[tilespmem:$0x1BF80] =	vst v63  }
0x185: {  	_ = 	snop  }
0x186: {  	[spmem:s4] =	stream.indirect.scatter.add.f32 [tilespmem:s15], [sflag:$0x4], $0x1, s1, s3, $0xb8;
	[tilespmem:$0x1BF80] =	vst v63  }
0x187: {  	_ =	swait.ge [sflag:s21], $0x4000  }
0x188: {  	[sflag:s21] =	ssyncset.done $0x0  }
0x189: {  	[sflag:s21] =	ssyncadd.s32 $0xFFFFC000  }
0x18a: {  	_ =	swait.ge [sflag:s21], $0x80  }
0x18b: {  	s25 =	sld [smem:$0x7F6]  }
0x18c: {  	[sflag:s21] =	ssyncset.done $0x0  }
0x18d: {  	s6 =	simm.s32 @!p1 $0x0;
	s29 =	sld [smem:$0x7F7];
	[sflag:s21] =	ssyncadd.s32 $0xFFFFFF80  }
0x18e: {  	[tilespmem:s6], [sflag:$0x5] =	stream.linear.gather @!p1 [hbm4b:s25+s6], $0x80, $0x38;
	[tilespmem:$0x1BF80] =	vst v63  }
0x18f: {  	s25 =	simm.s32 @!p1 $0x200  }
0x190: {  	[tilespmem:s25], [sflag:$0x5] =	stream.linear.gather @!p1 [hbm4b:s29+s6], $0x80, $0x38;
	[tilespmem:$0x1BF80] =	vst v63  }
0x191: {  	s29 =	simm.s32 @!p1 $0x5  }
0x192: {  	_ =	swait.ge @!p1 [sflag:s29], $0x80  }
0x193: {  	[sflag:s29] =	ssyncset.done @!p1 $0x0  }
0x194: {  	[sflag:s29] =	ssyncadd.s32 @!p1 $0xFFFFFF80  }
0x195: {  	_ =	swait.ge @!p1 [sflag:s29], $0x80  }
0x196: {  	[sflag:s29] =	ssyncset.done @!p1 $0x0  }
0x197: {  	s30 =	simm.s32 @!p1 $0x400;
	[sflag:s29] =	ssyncadd.s32 @!p1 $0xFFFFFF80;
	s29 =	simm.s32 @!p1 $0x80  }
0x198: {  	[tilespmem:s30], [sflag:$0x1] =	stream.indirect.gather @!p1 [hbm4b:s0+s29], $0x80, s6, s29, $0xb8;
	[tilespmem:$0x1BF80] =	vst v63  }
0x199: {  	s6 =	simm.s32 @!p1 $0x1  }
0x19a: {  	_ =	swait.ge @!p1 [sflag:s6], $0x4000  }
0x19b: {  	[sflag:s6] =	ssyncset.done @!p1 $0x0  }
0x19c: {  	[sflag:s6] =	ssyncadd.s32 @!p1 $0xFFFFC000  }
0x19d: {  	[spmem:s2] =	stream.indirect.scatter.add.f32 @!p1 [tilespmem:s30], [sflag:$0x3], $0x80, s25, s29, $0xb8;
	[tilespmem:$0x1BF80] =	vst v63  }
0x19e: {  	s6 =	simm.s32 @!p1 $0x8400  }
0x19f: {  	[spmem:s4] =	stream.indirect.scatter.add.f32 @!p1 [tilespmem:s6], [sflag:$0x3], $0x1, s25, s29, $0xb8;
	[tilespmem:$0x1BF80] =	vst v63  }
0x1a0: {  	s6 =	simm.s32 @!p1 $0x3  }
0x1a1: {  	_ =	swait.ge @!p1 [sflag:s6], $0x4000  }
0x1a2: {  	[sflag:s6] =	ssyncset.done @!p1 $0x0  }
0x1a3: {  	[sflag:s6] =	ssyncadd.s32 @!p1 $0xFFFFC000  }
0x1a4: {  	_ =	swait.ge @!p1 [sflag:s6], $0x80  }
0x1a5: {  	[sflag:s6] =	ssyncset.done @!p1 $0x0  }
0x1a6: {  	[sflag:s6] =	ssyncadd.s32 @!p1 $0xFFFFFF80  }
0x1a7: {  	[bflag:$0x0] =	sbarrier.arrive $0xFFFF  }
0x1a8: {  	s30 =	sld [smem:$0x7F5];
	_ =	sdelay $0x1  }
0x1a9: {  	s29 =	rddreg [dreg:$0x16]  }
0x1aa: {  	[hbm:s29], [sflag:s24] =	dma.local [spmem:s30], $0x2700  }
0x1ab: {  	_ =	swait.ge [sflag:s11], $0x2700  }
0x1ac: {  	s6 =	sld [smem:$0x7F8]  }
0x1ad: {  	[sflag:s11] =	ssyncset.done $0x0  }
0x1ae: {  	[sflag:s11] =	ssyncadd.s32 $0xFFFFD900  }
0x1af: {  	[hbm:s6], [sflag:s24] =	dma.local @!p0 [spmem:s26], $0x100  }
0x1b0: {  	s6 =	simm.s32 @!p0 $0x9  }
0x1b1: {  	_ =	swait.ge @!p0 [sflag:s6], $0x100  }
0x1b2: {  	s29 =	simm.s32 $0x10;
	[sflag:s6] =	ssyncset.done @!p0 $0x0  }
0x1b3: {  	s26 =	simm.s32 $0x20;
	s25 =	rddreg [dreg:$0x17];
	[sflag:s6] =	ssyncadd.s32 @!p0 $0xFFFFFF00  }
0x1b4: {  	[hbm:s25@s26], [sflag:s24] =	dma.strided [spmem:s28@s29], $0x50, s14, $0x10   }
0x1b5: {  	_ =	swait.ge [sflag:s11], $0x50  }
0x1b6: {  	s30 =	sld [smem:$0x7F9];
	_ =	sdelay $0x1  }
0x1b7: {  	s23 =	sadd.s32 $0x1, s23  }
0x1b8: {  	p2 =	sne.s32 s23, s30  }
.Ltmp1:
0x1b9: {  	_ = 	snop;
	(pc) =	sbr.rel @p2 .LBB2_1-.Ltmp1, $3  }
0x1ba: {  	_ =	sdelay $0x1  }
0x1bb: {  	[sflag:s11] =	ssyncset.done $0x0  }
0x1bc: {  	[sflag:s11] =	ssyncadd.s32 $0xFFFFFFB0  }
0x1bd: {  	_ =	sfence.sel $0x180000  }
0x1be: {  	[bflag:$0x0] =	sbarrier.arrive $0xFFFF  }
0x1bf: {  	_ =	strace $0x90000047  }
0x1c0: {  	s0 =	stileid.u32;
	[bflag:$0x2] =	sbarrier.arrive $0xFFFF  }
0x1c1: {  	p0 =	sne.s32 s0, $0x0;
	s0 =	rddreg [dreg:$0x7]  }
0x1c2: {  	s0 =	sadd.s32 @!p0 $0x100000, s0  }
0x1c3: {  	[sflag:s0] =	ssyncadd.tile.s32 @!p0 $0x1;
	_ =	shalt  }
.Lfunc_end2:
_tile_overlayer_lowered:
.L_overlay_start_2:
0x1c4: {  	(tag) =	ssettag $0x2  }
0x1c5: {  	s0 =	rddreg [dreg:$0x0];
	s2 =	stileid.u32  }
0x1c6: {  	s1 =	rddreg [dreg:$0x1];
	p0 =	sne.s32 s2, $0x0  }
0x1c7: {  	s3 =	rddreg [dreg:$0x2];
	[bflag:$0x3] =	sbarrier.arrive $0xFFFF;
	s2 =	simm.s32 @!p0 $0x1C09  }
0x1c8: {  	[timem:s3], [sflag:s2] =	dma.local @!p0 [hbm:s0], s1  }
0x1c9: {  	s0 =	simm.s32 @!p0 $0x9  }
0x1ca: {  	_ =	swait.ge @!p0 [sflag:s0], s1  }
0x1cb: {  	s1 =	ssub.s32 @!p0 $0x0, s1;
	[sflag:s0] =	ssyncset.done @!p0 $0x0  }
0x1cc: {  	[sflag:s0] =	ssyncadd.s32 @!p0 s1  }
0x1cd: {  	[bflag:$0x3] =	sbarrier.arrive $0xFFFF  }
0x1ce: {  	_ =	shalt  }

</sc_bundles>
